<compile_context>
chip_gen: v7x
topology: tpu7x:2x2x1
jax: 0.10.2.dev20260603
libtpu: 0.0.44.dev20260713+nightly
codegen_flags: <defaults>
</compile_context>

<pallas_src>
import functools

import jax
import jax.numpy as jnp
from jax import lax
from jax.experimental import pallas as pl
from jax.experimental.pallas import tpu as pltpu
from jax.experimental.pallas import tpu_sc as plsc

N, D, E, OUT = 2048, 1024, 8, 128
EPS = 2.220446049250313e-16
NEG_INF = float("-inf")

BLK = 256
NBLK = 24
SROWS = NBLK * BLK
NP = 2 * N
PB = 256
NW = 32
CH = N // NW



def _route_body(x_ref, wg_ref, p0_ref, p1_ref, g_ref, bexp_ref):
    x = x_ref[...]
    logits = jnp.dot(x, wg_ref[...], preferred_element_type=jnp.float32)
    iota_e = lax.broadcasted_iota(jnp.int32, (N, E), 1)
    m1 = jnp.max(logits, axis=1, keepdims=True)
    e0 = jnp.min(jnp.where(logits == m1, iota_e, E), axis=1, keepdims=True)
    masked = jnp.where(iota_e == e0, NEG_INF, logits)
    m2 = jnp.max(masked, axis=1, keepdims=True)
    e1 = jnp.min(jnp.where(masked == m2, iota_e, E), axis=1, keepdims=True)
    t = jnp.exp(m2 - m1)
    g_ref[...] = jnp.concatenate([1.0 / (1.0 + t), t / (1.0 + t)], axis=1)

    oh0 = iota_e == e0
    oh1 = iota_e == e1
    cnt = jnp.where(oh0, 1.0, 0.0) + jnp.where(oh1, 1.0, 0.0)
    cnt_bf = cnt.astype(jnp.bfloat16)
    r = lax.broadcasted_iota(jnp.int32, (PB, PB), 0)
    c = lax.broadcasted_iota(jnp.int32, (PB, PB), 1)
    tri = jnp.where(c < r, 1.0, 0.0).astype(jnp.bfloat16)
    parts = []
    off = jnp.zeros((1, E), jnp.float32)
    for b in range(N // PB):
        blk_bf = cnt_bf[b * PB:(b + 1) * PB, :]
        parts.append(jnp.dot(tri, blk_bf, preferred_element_type=jnp.float32) + off)
        off = off + jnp.sum(cnt[b * PB:(b + 1) * PB, :], axis=0, keepdims=True)
    prefix = jnp.concatenate(parts, axis=0)
    totals = off

    pb = jnp.ceil(totals * (1.0 / BLK))
    inc = pb
    for sh in (1, 2, 4):
        inc = inc + jnp.concatenate(
            [jnp.zeros((1, sh), jnp.float32), inc[:, :-sh]], axis=1)
    base_blk = inc - pb
    posval = prefix + base_blk * float(BLK)
    p0 = jnp.sum(jnp.where(oh0, posval, 0.0), axis=1, keepdims=True)
    p1 = jnp.sum(jnp.where(oh1, posval, 0.0), axis=1, keepdims=True)
    p0_ref[...] = p0.astype(jnp.int32)
    p1_ref[...] = p1.astype(jnp.int32)

    bio = lax.broadcasted_iota(jnp.int32, (NBLK, E), 0)
    eio = lax.broadcasted_iota(jnp.int32, (NBLK, E), 1)
    bb = base_blk.astype(jnp.int32)
    pbi = pb.astype(jnp.int32)
    cond = (bio >= bb) & (bio < bb + pbi)
    bexp_ref[...] = jnp.sum(jnp.where(cond, eio, 0), axis=1, keepdims=True)


def _route(x, w_gate):
    return pl.pallas_call(
        _route_body,
        out_shape=[
            jax.ShapeDtypeStruct((N, 1), jnp.int32),
            jax.ShapeDtypeStruct((N, 1), jnp.int32),
            jax.ShapeDtypeStruct((N, 2), jnp.float32),
            jax.ShapeDtypeStruct((NBLK, 1), jnp.int32),
        ],
    )(x, w_gate)



@functools.lru_cache(maxsize=1)
def _sc_dispatch():
    mesh = plsc.VectorSubcoreMesh(core_axis_name="c", subcore_axis_name="s")

    @functools.partial(
        pl.kernel,
        out_type=jax.ShapeDtypeStruct((SROWS, D), jnp.float32),
        mesh=mesh,
        scratch_types=[
            pltpu.VMEM((CH,), jnp.int32),
            pltpu.VMEM((CH,), jnp.int32),
            pltpu.VMEM((CH, D), jnp.float32),
            pltpu.SemaphoreType.DMA,
        ],
    )
    def sc_dispatch(x_hbm, p0_hbm, p1_hbm, xs_hbm, i0_v, i1_v, rows_v, sem):
        w = lax.axis_index("s") * 2 + lax.axis_index("c")
        base = w * CH
        pltpu.sync_copy(p0_hbm.at[pl.ds(base, CH)], i0_v)
        pltpu.sync_copy(p1_hbm.at[pl.ds(base, CH)], i1_v)
        pltpu.sync_copy(x_hbm.at[pl.ds(base, CH)], rows_v)
        c0 = pltpu.async_copy(rows_v, xs_hbm.at[i0_v], sem)
        c1 = pltpu.async_copy(rows_v, xs_hbm.at[i1_v], sem)
        c0.wait()
        c1.wait()

    return sc_dispatch


def _dispatch(x, p0, p1):
    return _sc_dispatch()(x, p0, p1)



def _gmm_body(be_ref, x_ref, w_ref, b_ref, y_ref):
    del be_ref
    w = w_ref[0].astype(jnp.bfloat16)
    xb = x_ref[...].astype(jnp.bfloat16)
    y_ref[...] = jnp.dot(xb, w, preferred_element_type=jnp.float32) + b_ref[0]


def _gmm(bexp, xs, W_exp, b_exp):
    grid_spec = pltpu.PrefetchScalarGridSpec(
        num_scalar_prefetch=1,
        grid=(NBLK,),
        in_specs=[
            pl.BlockSpec((BLK, D), lambda b, be: (b, 0)),
            pl.BlockSpec((1, D, OUT), lambda b, be: (be[b], 0, 0)),
            pl.BlockSpec((1, 1, OUT), lambda b, be: (be[b], 0, 0)),
        ],
        out_specs=pl.BlockSpec((BLK, OUT), lambda b, be: (b, 0)),
    )
    return pl.pallas_call(
        _gmm_body,
        grid_spec=grid_spec,
        out_shape=jax.ShapeDtypeStruct((SROWS, OUT), jnp.float32),
    )(bexp, xs, W_exp, b_exp.reshape(E, 1, OUT))



@functools.lru_cache(maxsize=1)
def _sc_collect():
    mesh = plsc.VectorSubcoreMesh(core_axis_name="c", subcore_axis_name="s")

    @functools.partial(
        pl.kernel,
        out_type=jax.ShapeDtypeStruct((NP, OUT), jnp.float32),
        mesh=mesh,
        scratch_types=[
            pltpu.VMEM((CH,), jnp.int32),
            pltpu.VMEM((CH,), jnp.int32),
            pltpu.VMEM((CH, OUT), jnp.float32),
            pltpu.VMEM((CH, OUT), jnp.float32),
            pltpu.SemaphoreType.DMA,
        ],
    )
    def sc_collect(ys_hbm, p0_hbm, p1_hbm, yg_hbm, i0_v, i1_v, r0_v, r1_v, sem):
        w = lax.axis_index("s") * 2 + lax.axis_index("c")
        base = w * CH
        pltpu.sync_copy(p0_hbm.at[pl.ds(base, CH)], i0_v)
        pltpu.sync_copy(p1_hbm.at[pl.ds(base, CH)], i1_v)
        c0 = pltpu.async_copy(ys_hbm.at[i0_v], r0_v, sem)
        c1 = pltpu.async_copy(ys_hbm.at[i1_v], r1_v, sem)
        c0.wait()
        c1.wait()
        pltpu.sync_copy(r0_v, yg_hbm.at[pl.ds(base, CH)])
        pltpu.sync_copy(r1_v, yg_hbm.at[pl.ds(N + base, CH)])

    return sc_collect


def _collect(ys, p0, p1):
    return _sc_collect()(ys, p0, p1)



CB = 256


def _combine_body(y0_ref, y1_ref, g_ref, o_ref):
    g0 = g_ref[:, 0:1]
    g1 = g_ref[:, 1:2]
    acc = g0 * jnp.exp(y0_ref[...]) + g1 * jnp.exp(y1_ref[...])
    acc = jnp.where(acc == 0.0, EPS, acc)
    o_ref[...] = jnp.log(acc)


def _combine(yg, g2):
    nb = N // CB
    return pl.pallas_call(
        _combine_body,
        grid=(nb,),
        in_specs=[
            pl.BlockSpec((CB, OUT), lambda i: (i, 0)),
            pl.BlockSpec((CB, OUT), lambda i: (i + nb, 0)),
            pl.BlockSpec((CB, 2), lambda i: (i, 0)),
        ],
        out_specs=pl.BlockSpec((CB, OUT), lambda i: (i, 0)),
        out_shape=jax.ShapeDtypeStruct((N, OUT), jnp.float32),
    )(yg, yg, g2)



def kernel(x, w_gate, W_exp, b_exp):
    p0, p1, g2, bexp = _route(x, w_gate)
    p0 = p0.reshape(N)
    p1 = p1.reshape(N)
    xs = _dispatch(x, p0, p1)
    ys = _gmm(bexp.reshape(NBLK), xs, W_exp, b_exp)
    yg = _collect(ys, p0, p1)
    return _combine(yg, g2)

# --- scband reference (transcript-rebuilt; emitter-appended) ---
"""Pipeline reference for scband-mo-e-hdm-46205258171030 (READ-ONLY COPY).

The authoritative reference and input builder live on the scoring server;
editing this copy changes nothing except your own understanding.
"""

import jax, jax.numpy as jnp
import numpy as np

N = 2048      # tokens (batch*seq)
D = 1024      # input_size / d_model
E = 8         # num_experts
K = 2         # top-k
OUT = 128     # expert output classes (n_class_all)


def setup_inputs(seed: int = 0) -> dict:
    key = jax.random.key(seed)
    k1, k2, k3, k4 = jax.random.split(key, 4)
    x = jax.random.normal(k1, (N, D), dtype=jnp.float32)
    # learned params: gating matrix (w_gate) and per-expert linear heads standing in
    # for the pretrained HDM expert networks (each maps [*, D] -> [*, OUT] logits)
    w_gate = jax.random.normal(k2, (D, E), dtype=jnp.float32) * 0.02
    W_exp = jax.random.normal(k3, (E, D, OUT), dtype=jnp.float32) * (1.0 / np.sqrt(D))
    b_exp = jax.random.normal(k4, (E, OUT), dtype=jnp.float32) * 0.01
    return {"x": x, "w_gate": w_gate, "W_exp": W_exp, "b_exp": b_exp}


def reference(x, w_gate, W_exp, b_exp):
    # --- noisy_top_k_gating (noisy_gating=False / eval mode -> clean logits) ---
    logits = x @ w_gate                                   # [N, E]
    m = min(K + 1, E)
    top_logits, top_idx = jax.lax.top_k(logits, m)        # [N, m]
    top_k_logits = top_logits[:, :K]                      # [N, K]
    top_k_idx = top_idx[:, :K]                            # [N, K]
    top_k_gates = jax.nn.softmax(top_k_logits, axis=1)    # [N, K]
    rows = jnp.arange(N)[:, None]
    gates = jnp.zeros((N, E), dtype=x.dtype).at[rows, top_k_idx].set(top_k_gates)  # [N, E]
    # --- SparseDispatcher.dispatch + experts + combine ---
    # dense-equivalent of the sparse dispatch: expert e sees every token, but tokens
    # with gates[b, e] == 0 contribute exactly 0 to the combine (same math).
    expert_out = jnp.einsum('nd,edo->eno', x, W_exp) + b_exp[:, None, :]  # [E, N, OUT]
    # combine: sum_e gates[b, e] * exp(expert_out_e[b]); zeros -> eps; log
    stitched = jnp.exp(expert_out) * gates.T[:, :, None]  # [E, N, OUT]
    combined = stitched.sum(axis=0)                       # [N, OUT]
    eps = float(np.finfo(float).eps)
    combined = jnp.where(combined == 0, eps, combined)
    return jnp.log(combined)

if __name__ == "__main__":
    import jax
    _d = setup_inputs()
    print(jax.jit(kernel)(*tuple(_d.values())))

</pallas_src>

<mosaic_0001>
#map = affine_map<(d0, d1) -> (0, 0)>
#map1 = affine_map<(d0, d1) -> (0)>
module attributes {stable_mosaic.version = 14 : i64} {
  func.func @sc_collect(%arg0: i32, %arg1: i32, %arg2: memref<6144x128xf32, #tpu.memory_space<hbm>>, %arg3: memref<2048xi32, #tpu.memory_space<hbm>>, %arg4: memref<2048xi32, #tpu.memory_space<hbm>>, %arg5: memref<4096x128xf32, #tpu.memory_space<hbm>>, %arg6: memref<64xi32, #tpu.memory_space<vmem>>, %arg7: memref<64xi32, #tpu.memory_space<vmem>>, %arg8: memref<64x128xf32, #tpu.memory_space<vmem>>, %arg9: memref<64x128xf32, #tpu.memory_space<vmem>>, %arg10: memref<!tpu.dma_semaphore, #tpu.memory_space<semaphore_mem>>) attributes {dimension_semantics = [#tpu.dimension_semantics<core_parallel>, #tpu.dimension_semantics<subcore_parallel>], iteration_bounds = array<i64: 2, 16>, scalar_prefetch = 0 : i64, scratch_operands = 5 : i64, tpu.core_type = #tpu.core_type<sc_vector_subcore>, window_params = [{transform_indices = #map}, {transform_indices = #map1}, {transform_indices = #map1}, {transform_indices = #map}]} {
    %mul3A = arith.constant 2 : i32
    %mul3A_0 = arith.muli %arg1, %mul3A : i32
    %add3A = arith.addi %mul3A_0, %arg0 : i32
    %mul3A_1 = arith.constant 64 : i32
    %mul3A_2 = arith.muli %add3A, %mul3A_1 : i32
    "tpu.region"() ({
      %run_scoped3A = tpu.sem_alloc : memref<!tpu.dma_semaphore, #tpu.memory_space<semaphore_mem>>
      %dma_start3A_15 = tpu.memref_slice %arg3[%mul3A_2] : memref<2048xi32, #tpu.memory_space<hbm>> -> memref<64xi32, #tpu.memory_space<hbm>>
      %dma_start3A_16 = tpu.memref_slice %arg3[%mul3A_2] : memref<2048xi32, #tpu.memory_space<hbm>> -> memref<64xi32, #tpu.memory_space<hbm>>
      tpu.enqueue_dma source(%dma_start3A_16 : memref<64xi32, #tpu.memory_space<hbm>>) target(%arg6 : memref<64xi32, #tpu.memory_space<vmem>>) target_semaphore(%run_scoped3A : memref<!tpu.dma_semaphore, #tpu.memory_space<semaphore_mem>>)
      %dma_wait3A_17 = tpu.memref_slice %arg3[%mul3A_2] : memref<2048xi32, #tpu.memory_space<hbm>> -> memref<64xi32, #tpu.memory_space<hbm>>
      %dma_wait3A_18 = tpu.memref_slice %arg3[%mul3A_2] : memref<2048xi32, #tpu.memory_space<hbm>> -> memref<64xi32, #tpu.memory_space<hbm>>
      tpu.wait_dma2 semaphore(%run_scoped3A : memref<!tpu.dma_semaphore, #tpu.memory_space<semaphore_mem>>) src(%dma_wait3A_18 : memref<64xi32, #tpu.memory_space<hbm>>) dst(%arg6 : memref<64xi32, #tpu.memory_space<vmem>>)
      tpu.yield
    }) : () -> ()
    "tpu.region"() ({
      %run_scoped3A = tpu.sem_alloc : memref<!tpu.dma_semaphore, #tpu.memory_space<semaphore_mem>>
      %dma_start3A_15 = tpu.memref_slice %arg4[%mul3A_2] : memref<2048xi32, #tpu.memory_space<hbm>> -> memref<64xi32, #tpu.memory_space<hbm>>
      %dma_start3A_16 = tpu.memref_slice %arg4[%mul3A_2] : memref<2048xi32, #tpu.memory_space<hbm>> -> memref<64xi32, #tpu.memory_space<hbm>>
      tpu.enqueue_dma source(%dma_start3A_16 : memref<64xi32, #tpu.memory_space<hbm>>) target(%arg7 : memref<64xi32, #tpu.memory_space<vmem>>) target_semaphore(%run_scoped3A : memref<!tpu.dma_semaphore, #tpu.memory_space<semaphore_mem>>)
      %dma_wait3A_17 = tpu.memref_slice %arg4[%mul3A_2] : memref<2048xi32, #tpu.memory_space<hbm>> -> memref<64xi32, #tpu.memory_space<hbm>>
      %dma_wait3A_18 = tpu.memref_slice %arg4[%mul3A_2] : memref<2048xi32, #tpu.memory_space<hbm>> -> memref<64xi32, #tpu.memory_space<hbm>>
      tpu.wait_dma2 semaphore(%run_scoped3A : memref<!tpu.dma_semaphore, #tpu.memory_space<semaphore_mem>>) src(%dma_wait3A_18 : memref<64xi32, #tpu.memory_space<hbm>>) dst(%arg7 : memref<64xi32, #tpu.memory_space<vmem>>)
      tpu.yield
    }) : () -> ()
    %dma_start3A = arith.constant 0 : i32
    %dma_start3A_3 = arith.constant 0 : i32
    %dma_start3A_4 = tpu.memref_slice %arg2[%dma_start3A, %dma_start3A_3] : memref<6144x128xf32, #tpu.memory_space<hbm>> -> memref<6144x128xf32, #tpu.memory_space<hbm>>
    tpu.enqueue_indirect_dma source(%dma_start3A_4 : memref<6144x128xf32, #tpu.memory_space<hbm>>) target(%arg8 : memref<64x128xf32, #tpu.memory_space<vmem>>) offsets(%arg6 : memref<64xi32, #tpu.memory_space<vmem>>) semaphore(%arg10 : memref<!tpu.dma_semaphore, #tpu.memory_space<semaphore_mem>>)
    %dma_start3A_5 = arith.constant 0 : i32
    %dma_start3A_6 = arith.constant 0 : i32
    %dma_start3A_7 = tpu.memref_slice %arg2[%dma_start3A_5, %dma_start3A_6] : memref<6144x128xf32, #tpu.memory_space<hbm>> -> memref<6144x128xf32, #tpu.memory_space<hbm>>
    tpu.enqueue_indirect_dma source(%dma_start3A_7 : memref<6144x128xf32, #tpu.memory_space<hbm>>) target(%arg9 : memref<64x128xf32, #tpu.memory_space<vmem>>) offsets(%arg7 : memref<64xi32, #tpu.memory_space<vmem>>) semaphore(%arg10 : memref<!tpu.dma_semaphore, #tpu.memory_space<semaphore_mem>>)
    %dma_wait3A = arith.constant 0 : i32
    %dma_wait3A_8 = arith.constant 0 : i32
    %dma_wait3A_9 = tpu.memref_slice %arg2[%dma_wait3A, %dma_wait3A_8] : memref<6144x128xf32, #tpu.memory_space<hbm>> -> memref<6144x128xf32, #tpu.memory_space<hbm>>
    tpu.wait_indirect_dma semaphore(%arg10 : memref<!tpu.dma_semaphore, #tpu.memory_space<semaphore_mem>>) src(%dma_wait3A_9 : memref<6144x128xf32, #tpu.memory_space<hbm>>) dst(%arg8 : memref<64x128xf32, #tpu.memory_space<vmem>>)
    %dma_wait3A_10 = arith.constant 0 : i32
    %dma_wait3A_11 = arith.constant 0 : i32
    %dma_wait3A_12 = tpu.memref_slice %arg2[%dma_wait3A_10, %dma_wait3A_11] : memref<6144x128xf32, #tpu.memory_space<hbm>> -> memref<6144x128xf32, #tpu.memory_space<hbm>>
    tpu.wait_indirect_dma semaphore(%arg10 : memref<!tpu.dma_semaphore, #tpu.memory_space<semaphore_mem>>) src(%dma_wait3A_12 : memref<6144x128xf32, #tpu.memory_space<hbm>>) dst(%arg9 : memref<64x128xf32, #tpu.memory_space<vmem>>)
    "tpu.region"() ({
      %run_scoped3A = tpu.sem_alloc : memref<!tpu.dma_semaphore, #tpu.memory_space<semaphore_mem>>
      %dma_start3A_15 = arith.constant 0 : i32
      %dma_start3A_16 = tpu.memref_slice %arg5[%mul3A_2, %dma_start3A_15] : memref<4096x128xf32, #tpu.memory_space<hbm>> -> memref<64x128xf32, #tpu.memory_space<hbm>>
      %dma_start3A_17 = arith.constant 0 : i32
      %dma_start3A_18 = tpu.memref_slice %arg5[%mul3A_2, %dma_start3A_17] : memref<4096x128xf32, #tpu.memory_space<hbm>> -> memref<64x128xf32, #tpu.memory_space<hbm>>
      tpu.enqueue_dma source(%arg8 : memref<64x128xf32, #tpu.memory_space<vmem>>) target(%dma_start3A_18 : memref<64x128xf32, #tpu.memory_space<hbm>>) target_semaphore(%run_scoped3A : memref<!tpu.dma_semaphore, #tpu.memory_space<semaphore_mem>>)
      %dma_wait3A_19 = arith.constant 0 : i32
      %dma_wait3A_20 = tpu.memref_slice %arg5[%mul3A_2, %dma_wait3A_19] : memref<4096x128xf32, #tpu.memory_space<hbm>> -> memref<64x128xf32, #tpu.memory_space<hbm>>
      %dma_wait3A_21 = arith.constant 0 : i32
      %dma_wait3A_22 = tpu.memref_slice %arg5[%mul3A_2, %dma_wait3A_21] : memref<4096x128xf32, #tpu.memory_space<hbm>> -> memref<64x128xf32, #tpu.memory_space<hbm>>
      tpu.wait_dma2 semaphore(%run_scoped3A : memref<!tpu.dma_semaphore, #tpu.memory_space<semaphore_mem>>) src(%arg8 : memref<64x128xf32, #tpu.memory_space<vmem>>) dst(%dma_wait3A_22 : memref<64x128xf32, #tpu.memory_space<hbm>>)
      tpu.yield
    }) : () -> ()
    %add3A_13 = arith.constant 2048 : i32
    %add3A_14 = arith.addi %add3A_13, %mul3A_2 : i32
    "tpu.region"() ({
      %run_scoped3A = tpu.sem_alloc : memref<!tpu.dma_semaphore, #tpu.memory_space<semaphore_mem>>
      %dma_start3A_15 = arith.constant 0 : i32
      %dma_start3A_16 = tpu.memref_slice %arg5[%add3A_14, %dma_start3A_15] : memref<4096x128xf32, #tpu.memory_space<hbm>> -> memref<64x128xf32, #tpu.memory_space<hbm>>
      %dma_start3A_17 = arith.constant 0 : i32
      %dma_start3A_18 = tpu.memref_slice %arg5[%add3A_14, %dma_start3A_17] : memref<4096x128xf32, #tpu.memory_space<hbm>> -> memref<64x128xf32, #tpu.memory_space<hbm>>
      tpu.enqueue_dma source(%arg9 : memref<64x128xf32, #tpu.memory_space<vmem>>) target(%dma_start3A_18 : memref<64x128xf32, #tpu.memory_space<hbm>>) target_semaphore(%run_scoped3A : memref<!tpu.dma_semaphore, #tpu.memory_space<semaphore_mem>>)
      %dma_wait3A_19 = arith.constant 0 : i32
      %dma_wait3A_20 = tpu.memref_slice %arg5[%add3A_14, %dma_wait3A_19] : memref<4096x128xf32, #tpu.memory_space<hbm>> -> memref<64x128xf32, #tpu.memory_space<hbm>>
      %dma_wait3A_21 = arith.constant 0 : i32
      %dma_wait3A_22 = tpu.memref_slice %arg5[%add3A_14, %dma_wait3A_21] : memref<4096x128xf32, #tpu.memory_space<hbm>> -> memref<64x128xf32, #tpu.memory_space<hbm>>
      tpu.wait_dma2 semaphore(%run_scoped3A : memref<!tpu.dma_semaphore, #tpu.memory_space<semaphore_mem>>) src(%arg9 : memref<64x128xf32, #tpu.memory_space<vmem>>) dst(%dma_wait3A_22 : memref<64x128xf32, #tpu.memory_space<hbm>>)
      tpu.yield
    }) : () -> ()
    return
  }
}

#map = affine_map<(d0, d1) -> (0, 0)>
#map1 = affine_map<(d0, d1) -> (0)>
module attributes {stable_mosaic.version = 14 : i64} {
  func.func @sc_dispatch(%arg0: i32, %arg1: i32, %arg2: memref<2048x1024xf32, #tpu.memory_space<hbm>>, %arg3: memref<2048xi32, #tpu.memory_space<hbm>>, %arg4: memref<2048xi32, #tpu.memory_space<hbm>>, %arg5: memref<6144x1024xf32, #tpu.memory_space<hbm>>, %arg6: memref<64xi32, #tpu.memory_space<vmem>>, %arg7: memref<64xi32, #tpu.memory_space<vmem>>, %arg8: memref<64x1024xf32, #tpu.memory_space<vmem>>, %arg9: memref<!tpu.dma_semaphore, #tpu.memory_space<semaphore_mem>>) attributes {dimension_semantics = [#tpu.dimension_semantics<core_parallel>, #tpu.dimension_semantics<subcore_parallel>], iteration_bounds = array<i64: 2, 16>, scalar_prefetch = 0 : i64, scratch_operands = 4 : i64, tpu.core_type = #tpu.core_type<sc_vector_subcore>, window_params = [{transform_indices = #map}, {transform_indices = #map1}, {transform_indices = #map1}, {transform_indices = #map}]} {
    %mul3A = arith.constant 2 : i32
    %mul3A_0 = arith.muli %arg1, %mul3A : i32
    %add3A = arith.addi %mul3A_0, %arg0 : i32
    %mul3A_1 = arith.constant 64 : i32
    %mul3A_2 = arith.muli %add3A, %mul3A_1 : i32
    "tpu.region"() ({
      %run_scoped3A = tpu.sem_alloc : memref<!tpu.dma_semaphore, #tpu.memory_space<semaphore_mem>>
      %dma_start3A_13 = tpu.memref_slice %arg3[%mul3A_2] : memref<2048xi32, #tpu.memory_space<hbm>> -> memref<64xi32, #tpu.memory_space<hbm>>
      %dma_start3A_14 = tpu.memref_slice %arg3[%mul3A_2] : memref<2048xi32, #tpu.memory_space<hbm>> -> memref<64xi32, #tpu.memory_space<hbm>>
      tpu.enqueue_dma source(%dma_start3A_14 : memref<64xi32, #tpu.memory_space<hbm>>) target(%arg6 : memref<64xi32, #tpu.memory_space<vmem>>) target_semaphore(%run_scoped3A : memref<!tpu.dma_semaphore, #tpu.memory_space<semaphore_mem>>)
      %dma_wait3A_15 = tpu.memref_slice %arg3[%mul3A_2] : memref<2048xi32, #tpu.memory_space<hbm>> -> memref<64xi32, #tpu.memory_space<hbm>>
      %dma_wait3A_16 = tpu.memref_slice %arg3[%mul3A_2] : memref<2048xi32, #tpu.memory_space<hbm>> -> memref<64xi32, #tpu.memory_space<hbm>>
      tpu.wait_dma2 semaphore(%run_scoped3A : memref<!tpu.dma_semaphore, #tpu.memory_space<semaphore_mem>>) src(%dma_wait3A_16 : memref<64xi32, #tpu.memory_space<hbm>>) dst(%arg6 : memref<64xi32, #tpu.memory_space<vmem>>)
      tpu.yield
    }) : () -> ()
    "tpu.region"() ({
      %run_scoped3A = tpu.sem_alloc : memref<!tpu.dma_semaphore, #tpu.memory_space<semaphore_mem>>
      %dma_start3A_13 = tpu.memref_slice %arg4[%mul3A_2] : memref<2048xi32, #tpu.memory_space<hbm>> -> memref<64xi32, #tpu.memory_space<hbm>>
      %dma_start3A_14 = tpu.memref_slice %arg4[%mul3A_2] : memref<2048xi32, #tpu.memory_space<hbm>> -> memref<64xi32, #tpu.memory_space<hbm>>
      tpu.enqueue_dma source(%dma_start3A_14 : memref<64xi32, #tpu.memory_space<hbm>>) target(%arg7 : memref<64xi32, #tpu.memory_space<vmem>>) target_semaphore(%run_scoped3A : memref<!tpu.dma_semaphore, #tpu.memory_space<semaphore_mem>>)
      %dma_wait3A_15 = tpu.memref_slice %arg4[%mul3A_2] : memref<2048xi32, #tpu.memory_space<hbm>> -> memref<64xi32, #tpu.memory_space<hbm>>
      %dma_wait3A_16 = tpu.memref_slice %arg4[%mul3A_2] : memref<2048xi32, #tpu.memory_space<hbm>> -> memref<64xi32, #tpu.memory_space<hbm>>
      tpu.wait_dma2 semaphore(%run_scoped3A : memref<!tpu.dma_semaphore, #tpu.memory_space<semaphore_mem>>) src(%dma_wait3A_16 : memref<64xi32, #tpu.memory_space<hbm>>) dst(%arg7 : memref<64xi32, #tpu.memory_space<vmem>>)
      tpu.yield
    }) : () -> ()
    "tpu.region"() ({
      %run_scoped3A = tpu.sem_alloc : memref<!tpu.dma_semaphore, #tpu.memory_space<semaphore_mem>>
      %dma_start3A_13 = arith.constant 0 : i32
      %dma_start3A_14 = tpu.memref_slice %arg2[%mul3A_2, %dma_start3A_13] : memref<2048x1024xf32, #tpu.memory_space<hbm>> -> memref<64x1024xf32, #tpu.memory_space<hbm>>
      %dma_start3A_15 = arith.constant 0 : i32
      %dma_start3A_16 = tpu.memref_slice %arg2[%mul3A_2, %dma_start3A_15] : memref<2048x1024xf32, #tpu.memory_space<hbm>> -> memref<64x1024xf32, #tpu.memory_space<hbm>>
      tpu.enqueue_dma source(%dma_start3A_16 : memref<64x1024xf32, #tpu.memory_space<hbm>>) target(%arg8 : memref<64x1024xf32, #tpu.memory_space<vmem>>) target_semaphore(%run_scoped3A : memref<!tpu.dma_semaphore, #tpu.memory_space<semaphore_mem>>)
      %dma_wait3A_17 = arith.constant 0 : i32
      %dma_wait3A_18 = tpu.memref_slice %arg2[%mul3A_2, %dma_wait3A_17] : memref<2048x1024xf32, #tpu.memory_space<hbm>> -> memref<64x1024xf32, #tpu.memory_space<hbm>>
      %dma_wait3A_19 = arith.constant 0 : i32
      %dma_wait3A_20 = tpu.memref_slice %arg2[%mul3A_2, %dma_wait3A_19] : memref<2048x1024xf32, #tpu.memory_space<hbm>> -> memref<64x1024xf32, #tpu.memory_space<hbm>>
      tpu.wait_dma2 semaphore(%run_scoped3A : memref<!tpu.dma_semaphore, #tpu.memory_space<semaphore_mem>>) src(%dma_wait3A_20 : memref<64x1024xf32, #tpu.memory_space<hbm>>) dst(%arg8 : memref<64x1024xf32, #tpu.memory_space<vmem>>)
      tpu.yield
    }) : () -> ()
    %dma_start3A = arith.constant 0 : i32
    %dma_start3A_3 = arith.constant 0 : i32
    %dma_start3A_4 = tpu.memref_slice %arg5[%dma_start3A, %dma_start3A_3] : memref<6144x1024xf32, #tpu.memory_space<hbm>> -> memref<6144x1024xf32, #tpu.memory_space<hbm>>
    tpu.enqueue_indirect_dma source(%arg8 : memref<64x1024xf32, #tpu.memory_space<vmem>>) target(%dma_start3A_4 : memref<6144x1024xf32, #tpu.memory_space<hbm>>) offsets(%arg6 : memref<64xi32, #tpu.memory_space<vmem>>) semaphore(%arg9 : memref<!tpu.dma_semaphore, #tpu.memory_space<semaphore_mem>>)
    %dma_start3A_5 = arith.constant 0 : i32
    %dma_start3A_6 = arith.constant 0 : i32
    %dma_start3A_7 = tpu.memref_slice %arg5[%dma_start3A_5, %dma_start3A_6] : memref<6144x1024xf32, #tpu.memory_space<hbm>> -> memref<6144x1024xf32, #tpu.memory_space<hbm>>
    tpu.enqueue_indirect_dma source(%arg8 : memref<64x1024xf32, #tpu.memory_space<vmem>>) target(%dma_start3A_7 : memref<6144x1024xf32, #tpu.memory_space<hbm>>) offsets(%arg7 : memref<64xi32, #tpu.memory_space<vmem>>) semaphore(%arg9 : memref<!tpu.dma_semaphore, #tpu.memory_space<semaphore_mem>>)
    %dma_wait3A = arith.constant 0 : i32
    %dma_wait3A_8 = arith.constant 0 : i32
    %dma_wait3A_9 = tpu.memref_slice %arg5[%dma_wait3A, %dma_wait3A_8] : memref<6144x1024xf32, #tpu.memory_space<hbm>> -> memref<6144x1024xf32, #tpu.memory_space<hbm>>
    tpu.wait_indirect_dma semaphore(%arg9 : memref<!tpu.dma_semaphore, #tpu.memory_space<semaphore_mem>>) src(%arg8 : memref<64x1024xf32, #tpu.memory_space<vmem>>) dst(%dma_wait3A_9 : memref<6144x1024xf32, #tpu.memory_space<hbm>>)
    %dma_wait3A_10 = arith.constant 0 : i32
    %dma_wait3A_11 = arith.constant 0 : i32
    %dma_wait3A_12 = tpu.memref_slice %arg5[%dma_wait3A_10, %dma_wait3A_11] : memref<6144x1024xf32, #tpu.memory_space<hbm>> -> memref<6144x1024xf32, #tpu.memory_space<hbm>>
    tpu.wait_indirect_dma semaphore(%arg9 : memref<!tpu.dma_semaphore, #tpu.memory_space<semaphore_mem>>) src(%arg8 : memref<64x1024xf32, #tpu.memory_space<vmem>>) dst(%dma_wait3A_12 : memref<6144x1024xf32, #tpu.memory_space<hbm>>)
    return
  }
}

module attributes {stable_mosaic.version = 14 : i64} {
  func.func @_route_body(%arg0: memref<2048x1024xf32, #tpu.memory_space<vmem>>, %arg1: memref<1024x8xf32, #tpu.memory_space<vmem>>, %arg2: memref<2048x1xi32, #tpu.memory_space<vmem>>, %arg3: memref<2048x1xi32, #tpu.memory_space<vmem>>, %arg4: memref<2048x2xf32, #tpu.memory_space<vmem>>, %arg5: memref<24x1xi32, #tpu.memory_space<vmem>>) attributes {dimension_semantics = [], scalar_prefetch = 0 : i64, scratch_operands = 0 : i64, tpu.core_type = #tpu.core_type<tc>} {
    %get3A = arith.constant 0 : index
    %get3A_0 = arith.constant 0 : index
    %get3A_1 = vector.load %arg0[%get3A, %get3A_0] : memref<2048x1024xf32, #tpu.memory_space<vmem>>, vector<2048x1024xf32>
    %get3A_2 = arith.constant 0 : index
    %get3A_3 = arith.constant 0 : index
    %get3A_4 = vector.load %arg1[%get3A_2, %get3A_3] : memref<1024x8xf32, #tpu.memory_space<vmem>>, vector<1024x8xf32>
    %dot_general3A = arith.constant dense<0.000000e+00> : vector<2048x8xf32>
    %dot_general3A_5 = tpu.matmul %get3A_1, %get3A_4, %dot_general3A {dimension_numbers = #tpu.dot_dimension_numbers<[1], [0], [0], [1], [0, 0, 1, 1], [], []>, transpose_lhs_hint = false} : vector<2048x1024xf32>, vector<1024x8xf32>, vector<2048x8xf32> -> vector<2048x8xf32>
    %iota3A = tpu.iota {dimensions = array<i32: 1>} : vector<2048x8xi32>
    %reduce_max3A = arith.constant dense<0xFF800000> : vector<2048xf32>
    %reduce_max3A_6 = vector.multi_reduction <maximumf>, %dot_general3A_5, %reduce_max3A [1] : vector<2048x8xf32> to vector<2048xf32>
    %broadcast_in_dim3A = vector.shape_cast %reduce_max3A_6 : vector<2048xf32> to vector<2048x1xf32>
    %eq3A = vector.broadcast %broadcast_in_dim3A : vector<2048x1xf32> to vector<2048x8xf32>
    %eq3A_7 = arith.cmpf oeq, %dot_general3A_5, %eq3A : vector<2048x8xf32>
    %jit3A = arith.constant 8 : i32
    %broadcast_in_dim3A_8 = vector.broadcast %jit3A : i32 to vector<2048x8xi32>
    %select_n3A = arith.select %eq3A_7, %iota3A, %broadcast_in_dim3A_8 : vector<2048x8xi1>, vector<2048x8xi32>
    %reduce_min3A = arith.constant dense<2147483647> : vector<2048xi32>
    %reduce_min3A_9 = vector.multi_reduction <minsi>, %select_n3A, %reduce_min3A [1] : vector<2048x8xi32> to vector<2048xi32>
    %broadcast_in_dim3A_10 = vector.shape_cast %reduce_min3A_9 : vector<2048xi32> to vector<2048x1xi32>
    %eq3A_11 = vector.broadcast %broadcast_in_dim3A_10 : vector<2048x1xi32> to vector<2048x8xi32>
    %eq3A_12 = arith.cmpi eq, %iota3A, %eq3A_11 : vector<2048x8xi32>
    %jit3A_13 = arith.constant 0xFF800000 : f32
    %broadcast_in_dim3A_14 = vector.broadcast %jit3A_13 : f32 to vector<2048x8xf32>
    %select_n3A_15 = arith.select %eq3A_12, %broadcast_in_dim3A_14, %dot_general3A_5 : vector<2048x8xi1>, vector<2048x8xf32>
    %reduce_max3A_16 = arith.constant dense<0xFF800000> : vector<2048xf32>
    %reduce_max3A_17 = vector.multi_reduction <maximumf>, %select_n3A_15, %reduce_max3A_16 [1] : vector<2048x8xf32> to vector<2048xf32>
    %broadcast_in_dim3A_18 = vector.shape_cast %reduce_max3A_17 : vector<2048xf32> to vector<2048x1xf32>
    %eq3A_19 = vector.broadcast %broadcast_in_dim3A_18 : vector<2048x1xf32> to vector<2048x8xf32>
    %eq3A_20 = arith.cmpf oeq, %select_n3A_15, %eq3A_19 : vector<2048x8xf32>
    %jit3A_21 = arith.constant 8 : i32
    %broadcast_in_dim3A_22 = vector.broadcast %jit3A_21 : i32 to vector<2048x8xi32>
    %select_n3A_23 = arith.select %eq3A_20, %iota3A, %broadcast_in_dim3A_22 : vector<2048x8xi1>, vector<2048x8xi32>
    %reduce_min3A_24 = arith.constant dense<2147483647> : vector<2048xi32>
    %reduce_min3A_25 = vector.multi_reduction <minsi>, %select_n3A_23, %reduce_min3A_24 [1] : vector<2048x8xi32> to vector<2048xi32>
    %broadcast_in_dim3A_26 = vector.shape_cast %reduce_min3A_25 : vector<2048xi32> to vector<2048x1xi32>
    %sub3A = arith.subf %broadcast_in_dim3A_18, %broadcast_in_dim3A : vector<2048x1xf32>
    %exp3A = math.exp %sub3A : vector<2048x1xf32>
    %add3A = arith.constant 1.000000e+00 : f32
    %add3A_27 = vector.broadcast %add3A : f32 to vector<2048x1xf32>
    %add3A_28 = arith.addf %add3A_27, %exp3A : vector<2048x1xf32>
    %div3A = arith.constant 1.000000e+00 : f32
    %div3A_29 = vector.broadcast %div3A : f32 to vector<2048x1xf32>
    %div3A_30 = arith.divf %div3A_29, %add3A_28 : vector<2048x1xf32>
    %add3A_31 = arith.constant 1.000000e+00 : f32
    %add3A_32 = vector.broadcast %add3A_31 : f32 to vector<2048x1xf32>
    %add3A_33 = arith.addf %add3A_32, %exp3A : vector<2048x1xf32>
    %div3A_34 = arith.divf %exp3A, %add3A_33 : vector<2048x1xf32>
    %concatenate3A = tpu.concatenate %div3A_30, %div3A_34 in 1 : vector<2048x1xf32>, vector<2048x1xf32> -> vector<2048x2xf32>
    %swap3A = arith.constant 0 : index
    %swap3A_35 = arith.constant 0 : index
    %swap3A_36 = vector.load %arg4[%swap3A, %swap3A_35] : memref<2048x2xf32, #tpu.memory_space<vmem>>, vector<2048x2xf32>
    tpu.vector_store %arg4[%swap3A, %swap3A_35], %concatenate3A {strides = array<i32>} : memref<2048x2xf32, #tpu.memory_space<vmem>>, vector<2048x2xf32>,
    %eq3A_37 = vector.broadcast %broadcast_in_dim3A_10 : vector<2048x1xi32> to vector<2048x8xi32>
    %eq3A_38 = arith.cmpi eq, %iota3A, %eq3A_37 : vector<2048x8xi32>
    %eq3A_39 = vector.broadcast %broadcast_in_dim3A_26 : vector<2048x1xi32> to vector<2048x8xi32>
    %eq3A_40 = arith.cmpi eq, %iota3A, %eq3A_39 : vector<2048x8xi32>
    %jit3A_41 = arith.constant 1.000000e+00 : f32
    %jit3A_42 = arith.constant 0.000000e+00 : f32
    %broadcast_in_dim3A_43 = vector.broadcast %jit3A_41 : f32 to vector<2048x8xf32>
    %broadcast_in_dim3A_44 = vector.broadcast %jit3A_42 : f32 to vector<2048x8xf32>
    %select_n3A_45 = arith.select %eq3A_38, %broadcast_in_dim3A_43, %broadcast_in_dim3A_44 : vector<2048x8xi1>, vector<2048x8xf32>
    %jit3A_46 = arith.constant 1.000000e+00 : f32
    %jit3A_47 = arith.constant 0.000000e+00 : f32
    %broadcast_in_dim3A_48 = vector.broadcast %jit3A_46 : f32 to vector<2048x8xf32>
    %broadcast_in_dim3A_49 = vector.broadcast %jit3A_47 : f32 to vector<2048x8xf32>
    %select_n3A_50 = arith.select %eq3A_40, %broadcast_in_dim3A_48, %broadcast_in_dim3A_49 : vector<2048x8xi1>, vector<2048x8xf32>
    %add3A_51 = arith.addf %select_n3A_45, %select_n3A_50 : vector<2048x8xf32>
    %convert_element_type3A = arith.truncf %add3A_51 : vector<2048x8xf32> to vector<2048x8xbf16>
    %iota3A_52 = tpu.iota {dimensions = array<i32: 0>} : vector<256x256xi32>
    %iota3A_53 = tpu.iota {dimensions = array<i32: 1>} : vector<256x256xi32>
    %lt3A = arith.cmpi slt, %iota3A_53, %iota3A_52 : vector<256x256xi32>
    %jit3A_54 = arith.constant 1.000000e+00 : f32
    %jit3A_55 = arith.constant 0.000000e+00 : f32
    %broadcast_in_dim3A_56 = vector.broadcast %jit3A_54 : f32 to vector<256x256xf32>
    %broadcast_in_dim3A_57 = vector.broadcast %jit3A_55 : f32 to vector<256x256xf32>
    %select_n3A_58 = arith.select %lt3A, %broadcast_in_dim3A_56, %broadcast_in_dim3A_57 : vector<256x256xi1>, vector<256x256xf32>
    %convert_element_type3A_59 = arith.truncf %select_n3A_58 : vector<256x256xf32> to vector<256x256xbf16>
    %broadcast_in_dim3A_60 = arith.constant 0.000000e+00 : f32
    %broadcast_in_dim3A_61 = vector.broadcast %broadcast_in_dim3A_60 : f32 to vector<1x8xf32>
    %slice3A = vector.extract_strided_slice %convert_element_type3A {offsets = [0, 0], sizes = [256, 8], strides = [1, 1]} : vector<2048x8xbf16> to vector<256x8xbf16>
    %dot_general3A_62 = arith.constant dense<0.000000e+00> : vector<256x8xf32>
    %dot_general3A_63 = tpu.matmul %convert_element_type3A_59, %slice3A, %dot_general3A_62 {dimension_numbers = #tpu.dot_dimension_numbers<[1], [0], [0], [1], [0, 0, 1, 1], [], []>, transpose_lhs_hint = false} : vector<256x256xbf16>, vector<256x8xbf16>, vector<256x8xf32> -> vector<256x8xf32>
    %add3A_64 = vector.broadcast %broadcast_in_dim3A_61 : vector<1x8xf32> to vector<256x8xf32>
    %add3A_65 = arith.addf %dot_general3A_63, %add3A_64 : vector<256x8xf32>
    %slice3A_66 = vector.extract_strided_slice %add3A_51 {offsets = [0, 0], sizes = [256, 8], strides = [1, 1]} : vector<2048x8xf32> to vector<256x8xf32>
    %reduce_sum3A = arith.constant dense<0.000000e+00> : vector<8xf32>
    %reduce_sum3A_67 = vector.multi_reduction <add>, %slice3A_66, %reduce_sum3A [0] : vector<256x8xf32> to vector<8xf32>
    %broadcast_in_dim3A_68 = vector.shape_cast %reduce_sum3A_67 : vector<8xf32> to vector<1x8xf32>
    %add3A_69 = arith.addf %broadcast_in_dim3A_61, %broadcast_in_dim3A_68 : vector<1x8xf32>
    %slice3A_70 = vector.extract_strided_slice %convert_element_type3A {offsets = [256, 0], sizes = [256, 8], strides = [1, 1]} : vector<2048x8xbf16> to vector<256x8xbf16>
    %dot_general3A_71 = arith.constant dense<0.000000e+00> : vector<256x8xf32>
    %dot_general3A_72 = tpu.matmul %convert_element_type3A_59, %slice3A_70, %dot_general3A_71 {dimension_numbers = #tpu.dot_dimension_numbers<[1], [0], [0], [1], [0, 0, 1, 1], [], []>, transpose_lhs_hint = false} : vector<256x256xbf16>, vector<256x8xbf16>, vector<256x8xf32> -> vector<256x8xf32>
    %add3A_73 = vector.broadcast %add3A_69 : vector<1x8xf32> to vector<256x8xf32>
    %add3A_74 = arith.addf %dot_general3A_72, %add3A_73 : vector<256x8xf32>
    %slice3A_75 = vector.extract_strided_slice %add3A_51 {offsets = [256, 0], sizes = [256, 8], strides = [1, 1]} : vector<2048x8xf32> to vector<256x8xf32>
    %reduce_sum3A_76 = arith.constant dense<0.000000e+00> : vector<8xf32>
    %reduce_sum3A_77 = vector.multi_reduction <add>, %slice3A_75, %reduce_sum3A_76 [0] : vector<256x8xf32> to vector<8xf32>
    %broadcast_in_dim3A_78 = vector.shape_cast %reduce_sum3A_77 : vector<8xf32> to vector<1x8xf32>
    %add3A_79 = arith.addf %add3A_69, %broadcast_in_dim3A_78 : vector<1x8xf32>
    %slice3A_80 = vector.extract_strided_slice %convert_element_type3A {offsets = [512, 0], sizes = [256, 8], strides = [1, 1]} : vector<2048x8xbf16> to vector<256x8xbf16>
    %dot_general3A_81 = arith.constant dense<0.000000e+00> : vector<256x8xf32>
    %dot_general3A_82 = tpu.matmul %convert_element_type3A_59, %slice3A_80, %dot_general3A_81 {dimension_numbers = #tpu.dot_dimension_numbers<[1], [0], [0], [1], [0, 0, 1, 1], [], []>, transpose_lhs_hint = false} : vector<256x256xbf16>, vector<256x8xbf16>, vector<256x8xf32> -> vector<256x8xf32>
    %add3A_83 = vector.broadcast %add3A_79 : vector<1x8xf32> to vector<256x8xf32>
    %add3A_84 = arith.addf %dot_general3A_82, %add3A_83 : vector<256x8xf32>
    %slice3A_85 = vector.extract_strided_slice %add3A_51 {offsets = [512, 0], sizes = [256, 8], strides = [1, 1]} : vector<2048x8xf32> to vector<256x8xf32>
    %reduce_sum3A_86 = arith.constant dense<0.000000e+00> : vector<8xf32>
    %reduce_sum3A_87 = vector.multi_reduction <add>, %slice3A_85, %reduce_sum3A_86 [0] : vector<256x8xf32> to vector<8xf32>
    %broadcast_in_dim3A_88 = vector.shape_cast %reduce_sum3A_87 : vector<8xf32> to vector<1x8xf32>
    %add3A_89 = arith.addf %add3A_79, %broadcast_in_dim3A_88 : vector<1x8xf32>
    %slice3A_90 = vector.extract_strided_slice %convert_element_type3A {offsets = [768, 0], sizes = [256, 8], strides = [1, 1]} : vector<2048x8xbf16> to vector<256x8xbf16>
    %dot_general3A_91 = arith.constant dense<0.000000e+00> : vector<256x8xf32>
    %dot_general3A_92 = tpu.matmul %convert_element_type3A_59, %slice3A_90, %dot_general3A_91 {dimension_numbers = #tpu.dot_dimension_numbers<[1], [0], [0], [1], [0, 0, 1, 1], [], []>, transpose_lhs_hint = false} : vector<256x256xbf16>, vector<256x8xbf16>, vector<256x8xf32> -> vector<256x8xf32>
    %add3A_93 = vector.broadcast %add3A_89 : vector<1x8xf32> to vector<256x8xf32>
    %add3A_94 = arith.addf %dot_general3A_92, %add3A_93 : vector<256x8xf32>
    %slice3A_95 = vector.extract_strided_slice %add3A_51 {offsets = [768, 0], sizes = [256, 8], strides = [1, 1]} : vector<2048x8xf32> to vector<256x8xf32>
    %reduce_sum3A_96 = arith.constant dense<0.000000e+00> : vector<8xf32>
    %reduce_sum3A_97 = vector.multi_reduction <add>, %slice3A_95, %reduce_sum3A_96 [0] : vector<256x8xf32> to vector<8xf32>
    %broadcast_in_dim3A_98 = vector.shape_cast %reduce_sum3A_97 : vector<8xf32> to vector<1x8xf32>
    %add3A_99 = arith.addf %add3A_89, %broadcast_in_dim3A_98 : vector<1x8xf32>
    %slice3A_100 = vector.extract_strided_slice %convert_element_type3A {offsets = [1024, 0], sizes = [256, 8], strides = [1, 1]} : vector<2048x8xbf16> to vector<256x8xbf16>
    %dot_general3A_101 = arith.constant dense<0.000000e+00> : vector<256x8xf32>
    %dot_general3A_102 = tpu.matmul %convert_element_type3A_59, %slice3A_100, %dot_general3A_101 {dimension_numbers = #tpu.dot_dimension_numbers<[1], [0], [0], [1], [0, 0, 1, 1], [], []>, transpose_lhs_hint = false} : vector<256x256xbf16>, vector<256x8xbf16>, vector<256x8xf32> -> vector<256x8xf32>
    %add3A_103 = vector.broadcast %add3A_99 : vector<1x8xf32> to vector<256x8xf32>
    %add3A_104 = arith.addf %dot_general3A_102, %add3A_103 : vector<256x8xf32>
    %slice3A_105 = vector.extract_strided_slice %add3A_51 {offsets = [1024, 0], sizes = [256, 8], strides = [1, 1]} : vector<2048x8xf32> to vector<256x8xf32>
    %reduce_sum3A_106 = arith.constant dense<0.000000e+00> : vector<8xf32>
    %reduce_sum3A_107 = vector.multi_reduction <add>, %slice3A_105, %reduce_sum3A_106 [0] : vector<256x8xf32> to vector<8xf32>
    %broadcast_in_dim3A_108 = vector.shape_cast %reduce_sum3A_107 : vector<8xf32> to vector<1x8xf32>
    %add3A_109 = arith.addf %add3A_99, %broadcast_in_dim3A_108 : vector<1x8xf32>
    %slice3A_110 = vector.extract_strided_slice %convert_element_type3A {offsets = [1280, 0], sizes = [256, 8], strides = [1, 1]} : vector<2048x8xbf16> to vector<256x8xbf16>
    %dot_general3A_111 = arith.constant dense<0.000000e+00> : vector<256x8xf32>
    %dot_general3A_112 = tpu.matmul %convert_element_type3A_59, %slice3A_110, %dot_general3A_111 {dimension_numbers = #tpu.dot_dimension_numbers<[1], [0], [0], [1], [0, 0, 1, 1], [], []>, transpose_lhs_hint = false} : vector<256x256xbf16>, vector<256x8xbf16>, vector<256x8xf32> -> vector<256x8xf32>
    %add3A_113 = vector.broadcast %add3A_109 : vector<1x8xf32> to vector<256x8xf32>
    %add3A_114 = arith.addf %dot_general3A_112, %add3A_113 : vector<256x8xf32>
    %slice3A_115 = vector.extract_strided_slice %add3A_51 {offsets = [1280, 0], sizes = [256, 8], strides = [1, 1]} : vector<2048x8xf32> to vector<256x8xf32>
    %reduce_sum3A_116 = arith.constant dense<0.000000e+00> : vector<8xf32>
    %reduce_sum3A_117 = vector.multi_reduction <add>, %slice3A_115, %reduce_sum3A_116 [0] : vector<256x8xf32> to vector<8xf32>
    %broadcast_in_dim3A_118 = vector.shape_cast %reduce_sum3A_117 : vector<8xf32> to vector<1x8xf32>
    %add3A_119 = arith.addf %add3A_109, %broadcast_in_dim3A_118 : vector<1x8xf32>
    %slice3A_120 = vector.extract_strided_slice %convert_element_type3A {offsets = [1536, 0], sizes = [256, 8], strides = [1, 1]} : vector<2048x8xbf16> to vector<256x8xbf16>
    %dot_general3A_121 = arith.constant dense<0.000000e+00> : vector<256x8xf32>
    %dot_general3A_122 = tpu.matmul %convert_element_type3A_59, %slice3A_120, %dot_general3A_121 {dimension_numbers = #tpu.dot_dimension_numbers<[1], [0], [0], [1], [0, 0, 1, 1], [], []>, transpose_lhs_hint = false} : vector<256x256xbf16>, vector<256x8xbf16>, vector<256x8xf32> -> vector<256x8xf32>
    %add3A_123 = vector.broadcast %add3A_119 : vector<1x8xf32> to vector<256x8xf32>
    %add3A_124 = arith.addf %dot_general3A_122, %add3A_123 : vector<256x8xf32>
    %slice3A_125 = vector.extract_strided_slice %add3A_51 {offsets = [1536, 0], sizes = [256, 8], strides = [1, 1]} : vector<2048x8xf32> to vector<256x8xf32>
    %reduce_sum3A_126 = arith.constant dense<0.000000e+00> : vector<8xf32>
    %reduce_sum3A_127 = vector.multi_reduction <add>, %slice3A_125, %reduce_sum3A_126 [0] : vector<256x8xf32> to vector<8xf32>
    %broadcast_in_dim3A_128 = vector.shape_cast %reduce_sum3A_127 : vector<8xf32> to vector<1x8xf32>
    %add3A_129 = arith.addf %add3A_119, %broadcast_in_dim3A_128 : vector<1x8xf32>
    %slice3A_130 = vector.extract_strided_slice %convert_element_type3A {offsets = [1792, 0], sizes = [256, 8], strides = [1, 1]} : vector<2048x8xbf16> to vector<256x8xbf16>
    %dot_general3A_131 = arith.constant dense<0.000000e+00> : vector<256x8xf32>
    %dot_general3A_132 = tpu.matmul %convert_element_type3A_59, %slice3A_130, %dot_general3A_131 {dimension_numbers = #tpu.dot_dimension_numbers<[1], [0], [0], [1], [0, 0, 1, 1], [], []>, transpose_lhs_hint = false} : vector<256x256xbf16>, vector<256x8xbf16>, vector<256x8xf32> -> vector<256x8xf32>
    %add3A_133 = vector.broadcast %add3A_129 : vector<1x8xf32> to vector<256x8xf32>
    %add3A_134 = arith.addf %dot_general3A_132, %add3A_133 : vector<256x8xf32>
    %slice3A_135 = vector.extract_strided_slice %add3A_51 {offsets = [1792, 0], sizes = [256, 8], strides = [1, 1]} : vector<2048x8xf32> to vector<256x8xf32>
    %reduce_sum3A_136 = arith.constant dense<0.000000e+00> : vector<8xf32>
    %reduce_sum3A_137 = vector.multi_reduction <add>, %slice3A_135, %reduce_sum3A_136 [0] : vector<256x8xf32> to vector<8xf32>
    %broadcast_in_dim3A_138 = vector.shape_cast %reduce_sum3A_137 : vector<8xf32> to vector<1x8xf32>
    %add3A_139 = arith.addf %add3A_129, %broadcast_in_dim3A_138 : vector<1x8xf32>
    %concatenate3A_140 = tpu.concatenate %add3A_65, %add3A_74, %add3A_84, %add3A_94, %add3A_104, %add3A_114, %add3A_124, %add3A_134 in 0 : vector<256x8xf32>, vector<256x8xf32>, vector<256x8xf32>, vector<256x8xf32>, vector<256x8xf32>, vector<256x8xf32>, vector<256x8xf32>, vector<256x8xf32> -> vector<2048x8xf32>
    %mul3A = arith.constant 3.906250e-03 : f32
    %mul3A_141 = vector.broadcast %mul3A : f32 to vector<1x8xf32>
    %mul3A_142 = arith.mulf %add3A_139, %mul3A_141 : vector<1x8xf32>
    %ceil3A = math.ceil %mul3A_142 : vector<1x8xf32>
    %broadcast_in_dim3A_143 = arith.constant 0.000000e+00 : f32
    %broadcast_in_dim3A_144 = vector.broadcast %broadcast_in_dim3A_143 : f32 to vector<1x1xf32>
    %slice3A_145 = vector.extract_strided_slice %ceil3A {offsets = [0, 0], sizes = [1, 7], strides = [1, 1]} : vector<1x8xf32> to vector<1x7xf32>
    %concatenate3A_146 = tpu.concatenate %broadcast_in_dim3A_144, %slice3A_145 in 1 : vector<1x1xf32>, vector<1x7xf32> -> vector<1x8xf32>
    %add3A_147 = arith.addf %ceil3A, %concatenate3A_146 : vector<1x8xf32>
    %broadcast_in_dim3A_148 = arith.constant 0.000000e+00 : f32
    %broadcast_in_dim3A_149 = vector.broadcast %broadcast_in_dim3A_148 : f32 to vector<1x2xf32>
    %slice3A_150 = vector.extract_strided_slice %add3A_147 {offsets = [0, 0], sizes = [1, 6], strides = [1, 1]} : vector<1x8xf32> to vector<1x6xf32>
    %concatenate3A_151 = tpu.concatenate %broadcast_in_dim3A_149, %slice3A_150 in 1 : vector<1x2xf32>, vector<1x6xf32> -> vector<1x8xf32>
    %add3A_152 = arith.addf %add3A_147, %concatenate3A_151 : vector<1x8xf32>
    %broadcast_in_dim3A_153 = arith.constant 0.000000e+00 : f32
    %broadcast_in_dim3A_154 = vector.broadcast %broadcast_in_dim3A_153 : f32 to vector<1x4xf32>
    %slice3A_155 = vector.extract_strided_slice %add3A_152 {offsets = [0, 0], sizes = [1, 4], strides = [1, 1]} : vector<1x8xf32> to vector<1x4xf32>
    %concatenate3A_156 = tpu.concatenate %broadcast_in_dim3A_154, %slice3A_155 in 1 : vector<1x4xf32>, vector<1x4xf32> -> vector<1x8xf32>
    %add3A_157 = arith.addf %add3A_152, %concatenate3A_156 : vector<1x8xf32>
    %sub3A_158 = arith.subf %add3A_157, %ceil3A : vector<1x8xf32>
    %mul3A_159 = arith.constant 2.560000e+02 : f32
    %mul3A_160 = vector.broadcast %mul3A_159 : f32 to vector<1x8xf32>
    %mul3A_161 = arith.mulf %sub3A_158, %mul3A_160 : vector<1x8xf32>
    %add3A_162 = vector.broadcast %mul3A_161 : vector<1x8xf32> to vector<2048x8xf32>
    %add3A_163 = arith.addf %concatenate3A_140, %add3A_162 : vector<2048x8xf32>
    %jit3A_164 = arith.constant 0.000000e+00 : f32
    %broadcast_in_dim3A_165 = vector.broadcast %jit3A_164 : f32 to vector<2048x8xf32>
    %select_n3A_166 = arith.select %eq3A_38, %add3A_163, %broadcast_in_dim3A_165 : vector<2048x8xi1>, vector<2048x8xf32>
    %reduce_sum3A_167 = arith.constant dense<0.000000e+00> : vector<2048xf32>
    %reduce_sum3A_168 = vector.multi_reduction <add>, %select_n3A_166, %reduce_sum3A_167 [1] : vector<2048x8xf32> to vector<2048xf32>
    %broadcast_in_dim3A_169 = vector.shape_cast %reduce_sum3A_168 : vector<2048xf32> to vector<2048x1xf32>
    %jit3A_170 = arith.constant 0.000000e+00 : f32
    %broadcast_in_dim3A_171 = vector.broadcast %jit3A_170 : f32 to vector<2048x8xf32>
    %select_n3A_172 = arith.select %eq3A_40, %add3A_163, %broadcast_in_dim3A_171 : vector<2048x8xi1>, vector<2048x8xf32>
    %reduce_sum3A_173 = arith.constant dense<0.000000e+00> : vector<2048xf32>
    %reduce_sum3A_174 = vector.multi_reduction <add>, %select_n3A_172, %reduce_sum3A_173 [1] : vector<2048x8xf32> to vector<2048xf32>
    %broadcast_in_dim3A_175 = vector.shape_cast %reduce_sum3A_174 : vector<2048xf32> to vector<2048x1xf32>
    %convert_element_type3A_176 = arith.fptosi %broadcast_in_dim3A_169 : vector<2048x1xf32> to vector<2048x1xi32>
    %swap3A_177 = arith.constant 0 : index
    %swap3A_178 = arith.constant 0 : index
    %swap3A_179 = vector.load %arg2[%swap3A_177, %swap3A_178] : memref<2048x1xi32, #tpu.memory_space<vmem>>, vector<2048x1xi32>
    tpu.vector_store %arg2[%swap3A_177, %swap3A_178], %convert_element_type3A_176 {strides = array<i32>} : memref<2048x1xi32, #tpu.memory_space<vmem>>, vector<2048x1xi32>,
    %convert_element_type3A_180 = arith.fptosi %broadcast_in_dim3A_175 : vector<2048x1xf32> to vector<2048x1xi32>
    %swap3A_181 = arith.constant 0 : index
    %swap3A_182 = arith.constant 0 : index
    %swap3A_183 = vector.load %arg3[%swap3A_181, %swap3A_182] : memref<2048x1xi32, #tpu.memory_space<vmem>>, vector<2048x1xi32>
    tpu.vector_store %arg3[%swap3A_181, %swap3A_182], %convert_element_type3A_180 {strides = array<i32>} : memref<2048x1xi32, #tpu.memory_space<vmem>>, vector<2048x1xi32>,
    %iota3A_184 = tpu.iota {dimensions = array<i32: 0>} : vector<24x8xi32>
    %iota3A_185 = tpu.iota {dimensions = array<i32: 1>} : vector<24x8xi32>
    %convert_element_type3A_186 = arith.fptosi %sub3A_158 : vector<1x8xf32> to vector<1x8xi32>
    %convert_element_type3A_187 = arith.fptosi %ceil3A : vector<1x8xf32> to vector<1x8xi32>
    %ge3A = vector.broadcast %convert_element_type3A_186 : vector<1x8xi32> to vector<24x8xi32>
    %ge3A_188 = arith.cmpi sge, %iota3A_184, %ge3A : vector<24x8xi32>
    %add3A_189 = arith.addi %convert_element_type3A_186, %convert_element_type3A_187 : vector<1x8xi32>
    %lt3A_190 = vector.broadcast %add3A_189 : vector<1x8xi32> to vector<24x8xi32>
    %lt3A_191 = arith.cmpi slt, %iota3A_184, %lt3A_190 : vector<24x8xi32>
    %and3A = arith.andi %ge3A_188, %lt3A_191 : vector<24x8xi1>
    %jit3A_192 = arith.constant 0 : i32
    %broadcast_in_dim3A_193 = vector.broadcast %jit3A_192 : i32 to vector<24x8xi32>
    %select_n3A_194 = arith.select %and3A, %iota3A_185, %broadcast_in_dim3A_193 : vector<24x8xi1>, vector<24x8xi32>
    %reduce_sum3A_195 = arith.constant dense<0> : vector<24xi32>
    %reduce_sum3A_196 = vector.multi_reduction <add>, %select_n3A_194, %reduce_sum3A_195 [1] : vector<24x8xi32> to vector<24xi32>
    %broadcast_in_dim3A_197 = vector.shape_cast %reduce_sum3A_196 : vector<24xi32> to vector<24x1xi32>
    %swap3A_198 = arith.constant 0 : index
    %swap3A_199 = arith.constant 0 : index
    %swap3A_200 = vector.load %arg5[%swap3A_198, %swap3A_199] : memref<24x1xi32, #tpu.memory_space<vmem>>, vector<24x1xi32>
    tpu.vector_store %arg5[%swap3A_198, %swap3A_199], %broadcast_in_dim3A_197 {strides = array<i32>} : memref<24x1xi32, #tpu.memory_space<vmem>>, vector<24x1xi32>,
    return
  }
}

module attributes {stable_mosaic.version = 14 : i64} {
  func.func @_gmm_body(%arg0: i32, %arg1: memref<24xi32, #tpu.memory_space<smem>>, %arg2: memref<256x1024xf32, #tpu.memory_space<vmem>>, %arg3: memref<1x1024x128xf32, #tpu.memory_space<vmem>>, %arg4: memref<1x1x128xf32, #tpu.memory_space<vmem>>, %arg5: memref<256x128xf32, #tpu.memory_space<vmem>>) attributes {dimension_semantics = [#tpu.dimension_semantics<arbitrary>], iteration_bounds = array<i64: 24>, scalar_prefetch = 1 : i64, scratch_operands = 0 : i64, tpu.core_type = #tpu.core_type<tc>, window_params = [{transform_indices = @transform_0, window_bounds = array<i64: 256, 1024>}, {transform_indices = @transform_1, window_bounds = array<i64: 1, 1024, 128>}, {transform_indices = @transform_2, window_bounds = array<i64: 1, 1, 128>}, {transform_indices = @transform_3, window_bounds = array<i64: 256, 128>}]} {
    %get3A = arith.constant 0 : index
    %get3A_0 = arith.constant 0 : index
    %get3A_1 = arith.constant 0 : index
    %get3A_2 = vector.load %arg3[%get3A, %get3A_0, %get3A_1] : memref<1x1024x128xf32, #tpu.memory_space<vmem>>, vector<1x1024x128xf32>
    %get3A_3 = vector.shape_cast %get3A_2 : vector<1x1024x128xf32> to vector<1024x128xf32>
    %convert_element_type3A = arith.truncf %get3A_3 : vector<1024x128xf32> to vector<1024x128xbf16>
    %get3A_4 = arith.constant 0 : index
    %get3A_5 = arith.constant 0 : index
    %get3A_6 = vector.load %arg2[%get3A_4, %get3A_5] : memref<256x1024xf32, #tpu.memory_space<vmem>>, vector<256x1024xf32>
    %convert_element_type3A_7 = arith.truncf %get3A_6 : vector<256x1024xf32> to vector<256x1024xbf16>
    %dot_general3A = arith.constant dense<0.000000e+00> : vector<256x128xf32>
    %dot_general3A_8 = tpu.matmul %convert_element_type3A_7, %convert_element_type3A, %dot_general3A {dimension_numbers = #tpu.dot_dimension_numbers<[1], [0], [0], [1], [0, 0, 1, 1], [], []>, transpose_lhs_hint = false} : vector<256x1024xbf16>, vector<1024x128xbf16>, vector<256x128xf32> -> vector<256x128xf32>
    %get3A_9 = arith.constant 0 : index
    %get3A_10 = arith.constant 0 : index
    %get3A_11 = arith.constant 0 : index
    %get3A_12 = vector.load %arg4[%get3A_9, %get3A_10, %get3A_11] : memref<1x1x128xf32, #tpu.memory_space<vmem>>, vector<1x1x128xf32>
    %get3A_13 = vector.shape_cast %get3A_12 : vector<1x1x128xf32> to vector<1x128xf32>
    %add3A = vector.broadcast %get3A_13 : vector<1x128xf32> to vector<256x128xf32>
    %add3A_14 = arith.addf %dot_general3A_8, %add3A : vector<256x128xf32>
    %swap3A = arith.constant 0 : index
    %swap3A_15 = arith.constant 0 : index
    %swap3A_16 = vector.load %arg5[%swap3A, %swap3A_15] : memref<256x128xf32, #tpu.memory_space<vmem>>, vector<256x128xf32>
    tpu.vector_store %arg5[%swap3A, %swap3A_15], %add3A_14 {strides = array<i32>} : memref<256x128xf32, #tpu.memory_space<vmem>>, vector<256x128xf32>,
    return
  }
  func.func @transform_0(%arg0: i32, %arg1: memref<24xi32, #tpu.memory_space<smem>>) -> (i32, i32) {
    %c0_i32 = arith.constant 0 : i32
    %c0_i32_0 = arith.constant 0 : i32
    return %arg0, %c0_i32 : i32, i32
  }
  func.func @transform_1(%arg0: i32, %arg1: memref<24xi32, #tpu.memory_space<smem>>) -> (i32, i32, i32) {
    %get3A = arith.index_cast %arg0 : i32 to index
    %get3A_0 = memref.load %arg1[%get3A] : memref<24xi32, #tpu.memory_space<smem>>
    %c0_i32 = arith.constant 0 : i32
    %c0_i32_1 = arith.constant 0 : i32
    %c0_i32_2 = arith.constant 0 : i32
    return %get3A_0, %c0_i32, %c0_i32_1 : i32, i32, i32
  }
  func.func @transform_2(%arg0: i32, %arg1: memref<24xi32, #tpu.memory_space<smem>>) -> (i32, i32, i32) {
    %get3A = arith.index_cast %arg0 : i32 to index
    %get3A_0 = memref.load %arg1[%get3A] : memref<24xi32, #tpu.memory_space<smem>>
    %c0_i32 = arith.constant 0 : i32
    %c0_i32_1 = arith.constant 0 : i32
    %c0_i32_2 = arith.constant 0 : i32
    return %get3A_0, %c0_i32, %c0_i32_1 : i32, i32, i32
  }
  func.func @transform_3(%arg0: i32, %arg1: memref<24xi32, #tpu.memory_space<smem>>) -> (i32, i32) {
    %c0_i32 = arith.constant 0 : i32
    %c0_i32_0 = arith.constant 0 : i32
    return %arg0, %c0_i32 : i32, i32
  }
}

module attributes {stable_mosaic.version = 14 : i64} {
  func.func @_combine_body(%arg0: i32, %arg1: memref<256x128xf32, #tpu.memory_space<vmem>>, %arg2: memref<256x128xf32, #tpu.memory_space<vmem>>, %arg3: memref<256x2xf32, #tpu.memory_space<vmem>>, %arg4: memref<256x128xf32, #tpu.memory_space<vmem>>) attributes {dimension_semantics = [#tpu.dimension_semantics<arbitrary>], iteration_bounds = array<i64: 8>, scalar_prefetch = 0 : i64, scratch_operands = 0 : i64, tpu.core_type = #tpu.core_type<tc>, window_params = [{transform_indices = @transform_0, window_bounds = array<i64: 256, 128>}, {transform_indices = @transform_1, window_bounds = array<i64: 256, 128>}, {transform_indices = @transform_2, window_bounds = array<i64: 256, 2>}, {transform_indices = @transform_3, window_bounds = array<i64: 256, 128>}]} {
    %get3A = arith.constant 0 : index
    %get3A_0 = arith.constant 0 : index
    %get3A_1 = vector.load %arg3[%get3A, %get3A_0] : memref<256x2xf32, #tpu.memory_space<vmem>>, vector<256x1xf32>
    %get3A_2 = arith.constant 0 : index
    %get3A_3 = arith.constant 1 : index
    %get3A_4 = vector.load %arg3[%get3A_2, %get3A_3] : memref<256x2xf32, #tpu.memory_space<vmem>>, vector<256x1xf32>
    %get3A_5 = arith.constant 0 : index
    %get3A_6 = arith.constant 0 : index
    %get3A_7 = vector.load %arg1[%get3A_5, %get3A_6] : memref<256x128xf32, #tpu.memory_space<vmem>>, vector<256x128xf32>
    %exp3A = math.exp %get3A_7 : vector<256x128xf32>
    %mul3A = vector.broadcast %get3A_1 : vector<256x1xf32> to vector<256x128xf32>
    %mul3A_8 = arith.mulf %mul3A, %exp3A : vector<256x128xf32>
    %get3A_9 = arith.constant 0 : index
    %get3A_10 = arith.constant 0 : index
    %get3A_11 = vector.load %arg2[%get3A_9, %get3A_10] : memref<256x128xf32, #tpu.memory_space<vmem>>, vector<256x128xf32>
    %exp3A_12 = math.exp %get3A_11 : vector<256x128xf32>
    %mul3A_13 = vector.broadcast %get3A_4 : vector<256x1xf32> to vector<256x128xf32>
    %mul3A_14 = arith.mulf %mul3A_13, %exp3A_12 : vector<256x128xf32>
    %add3A = arith.addf %mul3A_8, %mul3A_14 : vector<256x128xf32>
    %eq3A = arith.constant 0.000000e+00 : f32
    %eq3A_15 = vector.broadcast %eq3A : f32 to vector<256x128xf32>
    %eq3A_16 = arith.cmpf oeq, %add3A, %eq3A_15 : vector<256x128xf32>
    %jit3A = arith.constant 2.22044605E-16 : f32
    %broadcast_in_dim3A = vector.broadcast %jit3A : f32 to vector<256x128xf32>
    %select_n3A = arith.select %eq3A_16, %broadcast_in_dim3A, %add3A : vector<256x128xi1>, vector<256x128xf32>
    %log3A = math.log %select_n3A : vector<256x128xf32>
    %swap3A = arith.constant 0 : index
    %swap3A_17 = arith.constant 0 : index
    %swap3A_18 = vector.load %arg4[%swap3A, %swap3A_17] : memref<256x128xf32, #tpu.memory_space<vmem>>, vector<256x128xf32>
    tpu.vector_store %arg4[%swap3A, %swap3A_17], %log3A {strides = array<i32>} : memref<256x128xf32, #tpu.memory_space<vmem>>, vector<256x128xf32>,
    return
  }
  func.func @transform_0(%arg0: i32) -> (i32, i32) {
    %c0_i32 = arith.constant 0 : i32
    %c0_i32_0 = arith.constant 0 : i32
    return %arg0, %c0_i32 : i32, i32
  }
  func.func @transform_1(%arg0: i32) -> (i32, i32) {
    %add3A = arith.constant 8 : i32
    %add3A_0 = arith.addi %arg0, %add3A : i32
    %c0_i32 = arith.constant 0 : i32
    %c0_i32_1 = arith.constant 0 : i32
    return %add3A_0, %c0_i32 : i32, i32
  }
  func.func @transform_2(%arg0: i32) -> (i32, i32) {
    %c0_i32 = arith.constant 0 : i32
    %c0_i32_0 = arith.constant 0 : i32
    return %arg0, %c0_i32 : i32, i32
  }
  func.func @transform_3(%arg0: i32) -> (i32, i32) {
    %c0_i32 = arith.constant 0 : i32
    %c0_i32_0 = arith.constant 0 : i32
    return %arg0, %c0_i32 : i32, i32
  }
}

</mosaic_0001>

<sc_bundles>
// kernel: kernel.10.cloned.1.call-start
scs
__scs_entry_jumppad:
0x0: {  	(pc) =	sbr.rel $0x88, $3  }
0x1: {  	(tag) =	ssettag $0x0;
	lr =	simm.s32 $0x1  }
0x2: {  	[smem:$0x3F9D] =	sst lr;
	_ =	strace $0xD0000000  }
0x3: {  	_ = 	snop  }
0x4: {  	_ = 	snop  }
0x5: {  	_ = 	snop  }
0x6: {  	_ = 	snop  }
0x7: {  	_ = 	snop  }
__scs_overlays_trampoline_lowered:
0x8: {  	[smem:$0x3FAC] =	sst s0  }
0x9: {  	[smem:$0x3FAD] =	sst s1  }
0xa: {  	[smem:$0x3FAE] =	sst s2  }
0xb: {  	[smem:$0x3FAF] =	sst s3  }
0xc: {  	[smem:$0x3FB0] =	sst s4  }
0xd: {  	[smem:$0x3FB1] =	sst s5  }
0xe: {  	[smem:$0x3FB2] =	sst s6  }
0xf: {  	[smem:$0x3FB3] =	sst s7  }
0x10: {  	[smem:$0x3FB4] =	sst s8  }
0x11: {  	[smem:$0x3FB5] =	sst s9;
	s0 =	simm.s32 @!p0 $0x0  }
0x12: {  	s1 =	sld [smem:$0x3F9B];
	s0 =	simm.s32 @p0 $0x1  }
0x13: {  	[smem:$0x3FB6] =	sst s0;
	s0 =	simm.s32 @!p1 $0x0  }
0x14: {  	s2 =	sld [smem:$0x3F9A];
	s0 =	simm.s32 @p1 $0x1  }
0x15: {  	[smem:$0x3FB7] =	sst s0;
	s0 =	simm.s32 @!p2 $0x0  }
0x16: {  	s3 =	sld [smem:$0x3FDB];
	s0 =	simm.s32 @p2 $0x1  }
0x17: {  	s4 =	simm.s32 $0x1BF5;
	[smem:$0x3FB9] =	sst s0  }
0x18: {  	s0 =	sld [smem:$0x3F9C];
	_ =	swait.ge [sflag:s4], $0x0  }
0x19: {  	s7 =	sld [smem:$0x3F9D]  }
0x1a: {  	s8 =	sadd.s32 $0xFFFFE003, lr  }
0x1b: {  	s9 =	sadd.s32 $0xFFFFFEF7, lr;
	s5 =	simm.s32 $0xFFFFFFFF;
	p2 =	slt.u32 s8, $0xFFFFF086  }
0x1c: {  	p1 =	slt.u32 s9, $0xF7A;
	s5 =	simm.s32 @!p2 $0x0  }
0x1d: {  	s5 =	simm.s32 @p1 $0x1;
	p0 =	seq.s32 s7, s2  }
0x1e: {  	s7 =	smul.u32 @!p0 $0xF7A, s2;
	p2 =	seq.s32 @!p0 s5, $0x0  }
0x1f: {  	s9 =	smul.u32 $0xF7A, s1;
	s8 =	simm.s32 @!p0 $0x1BF5;
	p2 =	por !p2, p0  }
0x20: {  	[sflag:s8] =	ssyncset.s32 @!p0 $0xFFFFF086;
	s6 =	sadd.s32 @!p0 s3, s7;
	s7 =	simm.s32 @!p0 $0x108  }
0x21: {  	s3 =	sadd.s32 s3, s9;
	s6 =	sadd.s32 @!p0 $0x88, s6;
	s7 =	simm.s32 @p2 $0x1082  }
0x22: {  	[simem:s7], [sflag:s8] =	dma.local @!p0 [hbm:s6], $0xF7A  }
0x23: {  	s9 =	sor.u32 $0xD0000000, s2;
	s6 =	simm.s32 $0x108;
	_ =	swait.ge @!p0 [sflag:s8], $0x0  }
0x24: {  	s3 =	sadd.s32 $0x88, s3;
	s6 =	simm.s32 @!p1 $0x1082;
	[sflag:s4] =	ssyncset.s32 $0xFFFFF086  }
0x25: {  	[simem:s6], [sflag:s4] =	dma.local [hbm:s3], $0xF7A  }
0x26: {  	[smem:$0x3F9D] =	sst s1;
	(tag) =	ssettag s2;
	_ =	strace s9  }
0x27: {  	s1 =	sld [smem:$0x3FAD]  }
0x28: {  	s2 =	sld [smem:$0x3FAE]  }
0x29: {  	s4 =	sld [smem:$0x3FB0]  }
0x2a: {  	p0 =	seq.s32 s5, $0x0;
	s5 =	sld [smem:$0x3FB1]  }
0x2b: {  	s6 =	sld [smem:$0x3FB2]  }
0x2c: {  	s7 =	sld [smem:$0x3FB3]  }
0x2d: {  	s3 =	simm.s32 $0x108;
	s8 =	sld [smem:$0x3FB4]  }
0x2e: {  	s3 =	simm.s32 @!p0 $0x1082;
	s9 =	sld [smem:$0x3FB5]  }
0x2f: {  	lr =	sadd.s32 s0, s3;
	s0 =	sld [smem:$0x3FAC]  }
0x30: {  	s3 =	sld [smem:$0x3FAF]  }
0x31: {  	[smem:$0x3FB8] =	sst s10  }
0x32: {  	s10 =	sld [smem:$0x3FB6];
	_ =	sdelay $0x3  }
0x33: {  	p0 =	seq.s32 s10, $0x1;
	s10 =	sld [smem:$0x3FB8];
	_ =	sdelay $0x3  }
0x34: {  	[smem:$0x3FB8] =	sst s10  }
0x35: {  	s10 =	sld [smem:$0x3FB7];
	_ =	sdelay $0x3  }
0x36: {  	p1 =	seq.s32 s10, $0x1;
	s10 =	sld [smem:$0x3FB8];
	_ =	sdelay $0x3  }
0x37: {  	[smem:$0x3FB8] =	sst s10  }
0x38: {  	s10 =	sld [smem:$0x3FB9]  }
0x39: {  	_ = 	snop;
	(pc) =	sbr.ind lr, $3  }
0x3a: {  	_ = 	snop  }
0x3b: {  	_ = 	snop  }
0x3c: {  	p2 =	seq.s32 s10, $0x1;
	s10 =	sld [smem:$0x3FB8]  }
0x3d: {  	_ =	shalt  }
0x3e: {  	_ =	shalt  }
0x3f: {  	_ =	shalt  }
0x40: {  	_ =	shalt  }
0x41: {  	_ =	shalt  }
0x42: {  	_ =	shalt  }
0x43: {  	_ =	shalt  }
0x44: {  	_ =	shalt  }
0x45: {  	_ =	shalt  }
0x46: {  	_ =	shalt  }
0x47: {  	_ =	shalt  }
0x48: {  	_ =	shalt  }
0x49: {  	_ =	shalt  }
0x4a: {  	_ =	shalt  }
0x4b: {  	_ =	shalt  }
0x4c: {  	_ =	shalt  }
0x4d: {  	_ =	shalt  }
0x4e: {  	_ =	shalt  }
0x4f: {  	_ =	shalt  }
0x50: {  	_ =	shalt  }
0x51: {  	_ =	shalt  }
0x52: {  	_ =	shalt  }
0x53: {  	_ =	shalt  }
0x54: {  	_ =	shalt  }
0x55: {  	_ =	shalt  }
0x56: {  	_ =	shalt  }
0x57: {  	_ =	shalt  }
0x58: {  	_ =	shalt  }
0x59: {  	_ =	shalt  }
0x5a: {  	_ =	shalt  }
0x5b: {  	_ =	shalt  }
0x5c: {  	_ =	shalt  }
0x5d: {  	_ =	shalt  }
0x5e: {  	_ =	shalt  }
0x5f: {  	_ =	shalt  }
0x60: {  	_ =	shalt  }
0x61: {  	_ =	shalt  }
0x62: {  	_ =	shalt  }
0x63: {  	_ =	shalt  }
0x64: {  	_ =	shalt  }
0x65: {  	_ =	shalt  }
0x66: {  	_ =	shalt  }
0x67: {  	_ =	shalt  }
0x68: {  	_ =	shalt  }
0x69: {  	_ =	shalt  }
0x6a: {  	_ =	shalt  }
0x6b: {  	_ =	shalt  }
0x6c: {  	_ =	shalt  }
0x6d: {  	_ =	shalt  }
0x6e: {  	_ =	shalt  }
0x6f: {  	_ =	shalt  }
0x70: {  	_ =	shalt  }
0x71: {  	_ =	shalt  }
0x72: {  	_ =	shalt  }
0x73: {  	_ =	shalt  }
0x74: {  	_ =	shalt  }
0x75: {  	_ =	shalt  }
0x76: {  	_ =	shalt  }
0x77: {  	_ =	shalt  }
0x78: {  	_ =	shalt  }
0x79: {  	_ =	shalt  }
0x7a: {  	_ =	shalt  }
0x7b: {  	_ =	shalt  }
0x7c: {  	_ =	shalt  }
0x7d: {  	_ =	shalt  }
0x7e: {  	_ =	shalt  }
0x7f: {  	_ =	shalt  }
0x80: {  	_ =	shalt  }
0x81: {  	_ =	shalt  }
0x82: {  	_ =	shalt  }
0x83: {  	_ =	shalt  }
0x84: {  	_ =	shalt  }
0x85: {  	_ =	shalt  }
0x86: {  	_ =	shalt  }
0x87: {  	_ =	shalt  }
.Lfunc_end0:
.L_simem_size_0:
called_computation.1_lowered:
.L_overlay_start_0:
0x88: {  	s2 =	sld [smem:$0x3FD9]  }
0x89: {  	s3 =	sld [smem:$0x3FFE];
	_ =	sdelay $0x1  }
0x8a: {  	s1 =	srdreg.scid  }
0x8b: {  	s0 =	sand.u32 $0x1, s1  }
0x8c: {  	s17 =	sshll.u32 s0, $0xA;
	s2 =	sadd.s32 s3, s2  }
0x8d: {  	s2 =	sadd.s32 s2, s17  }
0x8e: {  	[smem:$0x3FC4] =	sst s2  }
0x8f: {  	_ = 	snop  }
0x90: {  	s2 =	sld [smem:$0x3FD0];
	(tm) =	ssettm $0x1  }
0x91: {  	s18 =	sld [smem:$0x3FFB];
	_ =	sdelay $0x3  }
0x92: {  	_ =	strace s18  }
0x93: {  	s3 =	sld [smem:$0x3FFC];
	_ =	sdelay $0x3  }
0x94: {  	_ =	strace s3  }
0x95: {  	s3 =	sld [smem:$0x3FFD];
	_ =	sdelay $0x3  }
0x96: {  	_ =	strace s3  }
0x97: {  	_ =	strace $0x8FFFFFFF  }
0x98: {  	s19 =	sld [smem:$0x3FDB];
	_ =	sdelay $0x1  }
0x99: {  	s4 =	simm.s32 $_scs_section_size  }
0x9a: {  	s5 =	simm.s32 $_size__tile_overlayer_lowered;
	s6 =	simm.s32 $_tile_overlayer_lowered  }
0x9b: {  	s22 =	simm.s32 $0x1BFF;
	s21 =	sshll.u32 s6, $0x1;
	s3 =	sadd.s32 s4, s19  }
0x9c: {  	s7 =	simm.s32 $0x0;
	s20 =	sshll.u32 s5, $0x1;
	s5 =	sadd.s32 s21, s3  }
0x9d: {  	[timem:s7], [sflag:s22] =	dma.local [hbm:s5], s20  }
0x9e: {  	_ =	swait.ge [sflag:s22], s20  }
0x9f: {  	s4 =	ssub.s32 $0x0, s20;
	[sflag:s22] =	ssyncset.done $0x0  }
0xa0: {  	[sflag:s22] =	ssyncadd.s32 s4;
	_ =	sdelay $0x1  }
0xa1: {  	s23 =	simm.s32 $0x1B8B  }
0xa2: {  	_ =	swait.ge [sflag:s23], $0x1  }
0xa3: {  	[sflag:s23] =	ssyncset.done $0x0  }
0xa4: {  	s25 =	simm.s32 $0x1B8E;
	s24 =	sld [smem:$0x3FFE];
	[sflag:s23] =	ssyncadd.s32 $0xFFFFFFFF  }
0xa5: {  	s26 =	simm.s32 $execute0_lowered;
	[smem:$0x3FD2] =	sst s25  }
0xa6: {  	s5 =	sshll.u32 s26, $0x1;
	_ =	strace $0x80000049;
	[dreg:$0x1] =	wrdreg $0xFFFFFFFF  }
0xa7: {  	s28 =	simm.s32 $_size_execute0_lowered;
	s3 =	sadd.s32 s3, s5;
	[dreg:$0x0] =	wrdreg $0x0  }
0xa8: {  	s5 =	sshll.u32 s28, $0x1;
	[dreg:$0x2] =	wrdreg s3  }
0xa9: {  	[dreg:$0x3] =	wrdreg s5  }
0xaa: {  	[dreg:$0x4] =	wrdreg $0xC0  }
0xab: {  	_ =	task [dreg:s7], $0x5FFFF  }
0xac: {  	[dreg:$0x1] =	wrdreg $0xFFFFFFFF  }
0xad: {  	[dreg:$0x0] =	wrdreg $0x60  }
0xae: {  	[dreg:$0x2] =	wrdreg s24  }
0xaf: {  	[dreg:$0x3] =	wrdreg s2  }
0xb0: {  	[dreg:$0x4] =	wrdreg $0x9  }
0xb1: {  	_ =	task.clear_ibuf [dreg:s7], $0x5FFFF;
	_ =	strace $0x90000049  }
0xb2: {  	s29 =	simm.s32 $0x9;
	_ =	strace $0x8000004B  }
0xb3: {  	_ =	swait.ge [sflag:s29], $0x1  }
0xb4: {  	[sflag:s29] =	ssyncadd.s32 $0xFFFFFFFF  }
0xb5: {  	_ =	strace $0x9000004B  }
0xb6: {  	_ =	sfence  }
0xb7: {  	s30 =	sld [smem:$0x0];
	_ =	sdelay $0x2  }
0xb8: {  	s31 =	sshll.u32 s1, $0xD;
	s1 =	sshrl.u32 s1, $0x2  }
0xb9: {  	s3 =	sand.u32 $0x4000, s31;
	s1 =	sadd.s32 s1, s30  }
0xba: {  	s0 =	sor.u32 s3, s0;
	s1 =	sshll.u32 s1, $0x11  }
0xbb: {  	s0 =	sor.u32 s1, s0  }
0xbc: {  	s0 =	sadd.s32 $0x8F2B, s0  }
0xbd: {  	[sflag:s0] =	ssyncadd.remote.s32 $0x1  }
0xbe: {  	_ =	sfence.sel $0xFFFF  }
0xbf: {  	[dreg:$0x0] =	wrdreg $0xFFFFFFFF;
	(pc) =	sbr.abs _section_cstart, $3  }
0xc0: {  	[dreg:$0x1] =	wrdreg $0xFFFFFFFF  }
0xc1: {  	_ =	task.clear_ibuf [dreg:s7], $0x2FFFF;
	_ =	strace $0x9FFFFFFF  }
0xc2: {  	(tm) =	ssettm $0x7FFFFFFF  }
0xc3: {  	_ =	shalt  }
tec
execute0_lowered:
.L_overlay_start_1:
0x0: {  	(tag) =	ssettag $0x1  }
0x1: {  	s1 =	srdreg.scid  }
0x2: {  	s12 =	rddreg [dreg:$0x0];
	s0 =	stileid.u32;
	s13 =	sand.u32 $0x1, s1  }
0x3: {  	s3 =	rddreg [dreg:$0x1];
	s4 =	sshll.u32 s0, $0x7;
	s5 =	sshll.u32 s13, $0x6  }
0x4: {  	s2 =	simm.s32 $0x0;
	s1 =	rddreg [dreg:$0x2];
	s14 =	sor.u32 s5, s4  }
0x5: {  	[smem:$0x7FF] =	sst s2;
	s5 =	sshrl.u32 s14, $0x3  }
0x6: {  	_ =	strace $0x8000004A;
	s4 =	sadd.s32 s3, s5;
	s3 =	simm.s32 $0x2  }
0x7: {  	[tilespmem:s2], [sflag:$0x2] =	stream.linear.gather [hbm4b:s4+s2], $0x40, $0x38;
	[tilespmem:$0x4100] =	vst v63  }
0x8: {  	_ =	swait.ge [sflag:s3], $0x40  }
0x9: {  	s5 =	sadd.s32 s5, s12;
	[sflag:s3] =	ssyncset.done $0x0  }
0xa: {  	s6 =	simm.s32 $0x80;
	s5 =	sadd.s32 $0x400, s5;
	[sflag:s3] =	ssyncadd.s32 $0xFFFFFFC0  }
0xb: {  	[tilespmem:s6], [sflag:$0x2] =	stream.linear.gather [hbm4b:s5+s2], $0x40, $0x38;
	[tilespmem:$0x4100] =	vst v63  }
0xc: {  	_ =	swait.ge [sflag:s3], $0x40  }
0xd: {  	s8 =	simm.s32 $0x40;
	[sflag:s3] =	ssyncset.done $0x0  }
0xe: {  	s9 =	simm.s32 $0x100;
	s7 =	sadd.s32 $0x600, s12;
	[sflag:s3] =	ssyncadd.s32 $0xFFFFFFC0  }
0xf: {  	[tilespmem:s9], [sflag:$0x1] =	stream.indirect.gather [hbm4b:s7+s8], $0x80, s2, s8, $0xb8;
	[tilespmem:$0x4100] =	vst v63  }
0x10: {  	s10 =	simm.s32 $0x2100;
	s11 =	simm.s32 $0x1  }
0x11: {  	[tilespmem:s10], [sflag:$0x1] =	stream.indirect.gather [hbm4b:s7+s8], $0x80, s6, s8, $0xb8;
	[tilespmem:$0x4100] =	vst v63  }
0x12: {  	_ =	swait.ge [sflag:s11], $0x2000  }
0x13: {  	[sflag:s11] =	ssyncset.done $0x0  }
0x14: {  	s13 =	ssub.s32 $0x2, s13;
	[sflag:s11] =	ssyncadd.s32 $0xFFFFE000  }
0x15: {  	s15 =	sshrl.u32 s13, $0x1;
	s14 =	sshll.u32 s14, $0x4;
	_ =	swait.ge [sflag:s11], $0x2000  }
0x16: {  	s15 =	ssub.s32 s13, s15;
	s14 =	sadd.s32 s14, s12;
	[sflag:s11] =	ssyncset.done $0x0  }
0x17: {  	s31 =	smax.u32 s15, $0x1;
	s12 =	sadd.s32 $0x18600, s14;
	[sflag:s11] =	ssyncadd.s32 $0xFFFFE000  }
0x18: {  	[hbm4b:s12+s2] =	stream.linear.scatter [tilespmem:s9], [sflag:$0x2], $0x2000, $0x38;
	[tilespmem:$0x4100] =	vst v63  }
0x19: {  	p0 =	sne.s32 s31, $0x1;
	_ =	swait.ge [sflag:s3], $0x2000  }
.Ltmp0:
0x1a: {  	[sflag:s3] =	ssyncset.done $0x0;
	(pc) =	sbr.rel @!p0 .LBB2_2-.Ltmp0, $4  }
0x1b: {  	s13 =	sadd.s32 $0x20600, s14;
	[sflag:s3] =	ssyncadd.s32 $0xFFFFE000  }
0x1c: {  	[hbm4b:s13+s2] =	stream.linear.scatter [tilespmem:s10], [sflag:$0x2], $0x2000, $0x38;
	[tilespmem:$0x4100] =	vst v63  }
0x1d: {  	_ =	swait.ge [sflag:s3], $0x2000  }
0x1e: {  	s14 =	sadd.s32 $0xFFFFFFFF, s31;
	[sflag:s3] =	ssyncset.done $0x0  }
.LBB2_1:
0x1f: {  	p0 =	sne.s32 s14, $0x1;
	s14 =	sadd.s32 $0xFFFFFFFF, s14;
	[sflag:s3] =	ssyncadd.s32 $0xFFFFE000  }
0x20: {  	[tilespmem:s2], [sflag:$0x2] =	stream.linear.gather [hbm4b:s4+s2], $0x40, $0x38;
	[tilespmem:$0x4100] =	vst v63  }
0x21: {  	_ =	swait.ge [sflag:s3], $0x40  }
0x22: {  	[sflag:s3] =	ssyncset.done $0x0  }
0x23: {  	[sflag:s3] =	ssyncadd.s32 $0xFFFFFFC0  }
0x24: {  	[tilespmem:s6], [sflag:$0x2] =	stream.linear.gather [hbm4b:s5+s2], $0x40, $0x38;
	[tilespmem:$0x4100] =	vst v63  }
0x25: {  	_ =	swait.ge [sflag:s3], $0x40  }
0x26: {  	[sflag:s3] =	ssyncset.done $0x0  }
0x27: {  	[sflag:s3] =	ssyncadd.s32 $0xFFFFFFC0  }
0x28: {  	[tilespmem:s9], [sflag:$0x1] =	stream.indirect.gather [hbm4b:s7+s8], $0x80, s2, s8, $0xb8;
	[tilespmem:$0x4100] =	vst v63  }
0x29: {  	_ = 	snop  }
0x2a: {  	[tilespmem:s10], [sflag:$0x1] =	stream.indirect.gather [hbm4b:s7+s8], $0x80, s6, s8, $0xb8;
	[tilespmem:$0x4100] =	vst v63  }
0x2b: {  	_ =	swait.ge [sflag:s11], $0x2000  }
0x2c: {  	[sflag:s11] =	ssyncset.done $0x0  }
0x2d: {  	[sflag:s11] =	ssyncadd.s32 $0xFFFFE000  }
0x2e: {  	_ =	swait.ge [sflag:s11], $0x2000  }
0x2f: {  	[sflag:s11] =	ssyncset.done $0x0  }
0x30: {  	[sflag:s11] =	ssyncadd.s32 $0xFFFFE000  }
0x31: {  	[hbm4b:s12+s2] =	stream.linear.scatter [tilespmem:s9], [sflag:$0x2], $0x2000, $0x38;
	[tilespmem:$0x4100] =	vst v63  }
0x32: {  	_ =	swait.ge [sflag:s3], $0x2000  }
.Ltmp1:
0x33: {  	[sflag:s3] =	ssyncset.done $0x0;
	(pc) =	sbr.rel @p0 .LBB2_1-.Ltmp1, $4  }
0x34: {  	[sflag:s3] =	ssyncadd.s32 $0xFFFFE000  }
0x35: {  	[hbm4b:s13+s2] =	stream.linear.scatter [tilespmem:s10], [sflag:$0x2], $0x2000, $0x38;
	[tilespmem:$0x4100] =	vst v63  }
0x36: {  	_ =	swait.ge [sflag:s3], $0x2000  }
0x37: {  	[sflag:s3] =	ssyncset.done $0x0  }
.LBB2_2:
0x38: {  	[sflag:s3] =	ssyncadd.s32 $0xFFFFE000  }
0x39: {  	_ =	sfence.sel $0x180000  }
0x3a: {  	[bflag:$0x0] =	sbarrier.arrive $0xFFFF  }
0x3b: {  	p0 =	sne.s32 s0, $0x0;
	_ =	strace $0x9000004A  }
0x3c: {  	s0 =	sadd.s32 @!p0 $0x100000, s1;
	[bflag:$0x2] =	sbarrier.arrive $0xFFFF  }
0x3d: {  	[sflag:s0] =	ssyncadd.tile.s32 @!p0 $0x1;
	_ =	shalt  }
.Lfunc_end2:
_tile_overlayer_lowered:
.L_overlay_start_2:
0x3e: {  	(tag) =	ssettag $0x2  }
0x3f: {  	s0 =	rddreg [dreg:$0x0];
	s2 =	stileid.u32  }
0x40: {  	s1 =	rddreg [dreg:$0x1];
	p0 =	sne.s32 s2, $0x0  }
0x41: {  	s3 =	rddreg [dreg:$0x2];
	[bflag:$0x3] =	sbarrier.arrive $0xFFFF;
	s2 =	simm.s32 @!p0 $0x1C02  }
0x42: {  	[timem:s3], [sflag:s2] =	dma.local @!p0 [hbm:s0], s1  }
0x43: {  	s0 =	simm.s32 @!p0 $0x2  }
0x44: {  	_ =	swait.ge @!p0 [sflag:s0], s1  }
0x45: {  	s1 =	ssub.s32 @!p0 $0x0, s1;
	[sflag:s0] =	ssyncset.done @!p0 $0x0  }
0x46: {  	[sflag:s0] =	ssyncadd.s32 @!p0 s1  }
0x47: {  	[bflag:$0x3] =	sbarrier.arrive $0xFFFF  }
0x48: {  	_ =	shalt  }

// kernel: kernel.7.cloned.1.call-start
scs
__scs_entry_jumppad:
0x0: {  	(pc) =	sbr.rel $0x88, $3  }
0x1: {  	(tag) =	ssettag $0x0;
	lr =	simm.s32 $0x1  }
0x2: {  	[smem:$0x3F9D] =	sst lr;
	_ =	strace $0xD0000000  }
0x3: {  	_ = 	snop  }
0x4: {  	_ = 	snop  }
0x5: {  	_ = 	snop  }
0x6: {  	_ = 	snop  }
0x7: {  	_ = 	snop  }
__scs_overlays_trampoline_lowered:
0x8: {  	[smem:$0x3FAC] =	sst s0  }
0x9: {  	[smem:$0x3FAD] =	sst s1  }
0xa: {  	[smem:$0x3FAE] =	sst s2  }
0xb: {  	[smem:$0x3FAF] =	sst s3  }
0xc: {  	[smem:$0x3FB0] =	sst s4  }
0xd: {  	[smem:$0x3FB1] =	sst s5  }
0xe: {  	[smem:$0x3FB2] =	sst s6  }
0xf: {  	[smem:$0x3FB3] =	sst s7  }
0x10: {  	[smem:$0x3FB4] =	sst s8  }
0x11: {  	[smem:$0x3FB5] =	sst s9;
	s0 =	simm.s32 @!p0 $0x0  }
0x12: {  	s1 =	sld [smem:$0x3F9B];
	s0 =	simm.s32 @p0 $0x1  }
0x13: {  	[smem:$0x3FB6] =	sst s0;
	s0 =	simm.s32 @!p1 $0x0  }
0x14: {  	s2 =	sld [smem:$0x3F9A];
	s0 =	simm.s32 @p1 $0x1  }
0x15: {  	[smem:$0x3FB7] =	sst s0;
	s0 =	simm.s32 @!p2 $0x0  }
0x16: {  	s3 =	sld [smem:$0x3FDB];
	s0 =	simm.s32 @p2 $0x1  }
0x17: {  	s4 =	simm.s32 $0x1BF5;
	[smem:$0x3FB9] =	sst s0  }
0x18: {  	s0 =	sld [smem:$0x3F9C];
	_ =	swait.ge [sflag:s4], $0x0  }
0x19: {  	s7 =	sld [smem:$0x3F9D]  }
0x1a: {  	s8 =	sadd.s32 $0xFFFFE003, lr  }
0x1b: {  	s9 =	sadd.s32 $0xFFFFFEF7, lr;
	s5 =	simm.s32 $0xFFFFFFFF;
	p2 =	slt.u32 s8, $0xFFFFF086  }
0x1c: {  	p1 =	slt.u32 s9, $0xF7A;
	s5 =	simm.s32 @!p2 $0x0  }
0x1d: {  	s5 =	simm.s32 @p1 $0x1;
	p0 =	seq.s32 s7, s2  }
0x1e: {  	s7 =	smul.u32 @!p0 $0xF7A, s2;
	p2 =	seq.s32 @!p0 s5, $0x0  }
0x1f: {  	s9 =	smul.u32 $0xF7A, s1;
	s8 =	simm.s32 @!p0 $0x1BF5;
	p2 =	por !p2, p0  }
0x20: {  	[sflag:s8] =	ssyncset.s32 @!p0 $0xFFFFF086;
	s6 =	sadd.s32 @!p0 s3, s7;
	s7 =	simm.s32 @!p0 $0x108  }
0x21: {  	s3 =	sadd.s32 s3, s9;
	s6 =	sadd.s32 @!p0 $0x88, s6;
	s7 =	simm.s32 @p2 $0x1082  }
0x22: {  	[simem:s7], [sflag:s8] =	dma.local @!p0 [hbm:s6], $0xF7A  }
0x23: {  	s9 =	sor.u32 $0xD0000000, s2;
	s6 =	simm.s32 $0x108;
	_ =	swait.ge @!p0 [sflag:s8], $0x0  }
0x24: {  	s3 =	sadd.s32 $0x88, s3;
	s6 =	simm.s32 @!p1 $0x1082;
	[sflag:s4] =	ssyncset.s32 $0xFFFFF086  }
0x25: {  	[simem:s6], [sflag:s4] =	dma.local [hbm:s3], $0xF7A  }
0x26: {  	[smem:$0x3F9D] =	sst s1;
	(tag) =	ssettag s2;
	_ =	strace s9  }
0x27: {  	s1 =	sld [smem:$0x3FAD]  }
0x28: {  	s2 =	sld [smem:$0x3FAE]  }
0x29: {  	s4 =	sld [smem:$0x3FB0]  }
0x2a: {  	p0 =	seq.s32 s5, $0x0;
	s5 =	sld [smem:$0x3FB1]  }
0x2b: {  	s6 =	sld [smem:$0x3FB2]  }
0x2c: {  	s7 =	sld [smem:$0x3FB3]  }
0x2d: {  	s3 =	simm.s32 $0x108;
	s8 =	sld [smem:$0x3FB4]  }
0x2e: {  	s3 =	simm.s32 @!p0 $0x1082;
	s9 =	sld [smem:$0x3FB5]  }
0x2f: {  	lr =	sadd.s32 s0, s3;
	s0 =	sld [smem:$0x3FAC]  }
0x30: {  	s3 =	sld [smem:$0x3FAF]  }
0x31: {  	[smem:$0x3FB8] =	sst s10  }
0x32: {  	s10 =	sld [smem:$0x3FB6];
	_ =	sdelay $0x3  }
0x33: {  	p0 =	seq.s32 s10, $0x1;
	s10 =	sld [smem:$0x3FB8];
	_ =	sdelay $0x3  }
0x34: {  	[smem:$0x3FB8] =	sst s10  }
0x35: {  	s10 =	sld [smem:$0x3FB7];
	_ =	sdelay $0x3  }
0x36: {  	p1 =	seq.s32 s10, $0x1;
	s10 =	sld [smem:$0x3FB8];
	_ =	sdelay $0x3  }
0x37: {  	[smem:$0x3FB8] =	sst s10  }
0x38: {  	s10 =	sld [smem:$0x3FB9]  }
0x39: {  	_ = 	snop;
	(pc) =	sbr.ind lr, $3  }
0x3a: {  	_ = 	snop  }
0x3b: {  	_ = 	snop  }
0x3c: {  	p2 =	seq.s32 s10, $0x1;
	s10 =	sld [smem:$0x3FB8]  }
0x3d: {  	_ =	shalt  }
0x3e: {  	_ =	shalt  }
0x3f: {  	_ =	shalt  }
0x40: {  	_ =	shalt  }
0x41: {  	_ =	shalt  }
0x42: {  	_ =	shalt  }
0x43: {  	_ =	shalt  }
0x44: {  	_ =	shalt  }
0x45: {  	_ =	shalt  }
0x46: {  	_ =	shalt  }
0x47: {  	_ =	shalt  }
0x48: {  	_ =	shalt  }
0x49: {  	_ =	shalt  }
0x4a: {  	_ =	shalt  }
0x4b: {  	_ =	shalt  }
0x4c: {  	_ =	shalt  }
0x4d: {  	_ =	shalt  }
0x4e: {  	_ =	shalt  }
0x4f: {  	_ =	shalt  }
0x50: {  	_ =	shalt  }
0x51: {  	_ =	shalt  }
0x52: {  	_ =	shalt  }
0x53: {  	_ =	shalt  }
0x54: {  	_ =	shalt  }
0x55: {  	_ =	shalt  }
0x56: {  	_ =	shalt  }
0x57: {  	_ =	shalt  }
0x58: {  	_ =	shalt  }
0x59: {  	_ =	shalt  }
0x5a: {  	_ =	shalt  }
0x5b: {  	_ =	shalt  }
0x5c: {  	_ =	shalt  }
0x5d: {  	_ =	shalt  }
0x5e: {  	_ =	shalt  }
0x5f: {  	_ =	shalt  }
0x60: {  	_ =	shalt  }
0x61: {  	_ =	shalt  }
0x62: {  	_ =	shalt  }
0x63: {  	_ =	shalt  }
0x64: {  	_ =	shalt  }
0x65: {  	_ =	shalt  }
0x66: {  	_ =	shalt  }
0x67: {  	_ =	shalt  }
0x68: {  	_ =	shalt  }
0x69: {  	_ =	shalt  }
0x6a: {  	_ =	shalt  }
0x6b: {  	_ =	shalt  }
0x6c: {  	_ =	shalt  }
0x6d: {  	_ =	shalt  }
0x6e: {  	_ =	shalt  }
0x6f: {  	_ =	shalt  }
0x70: {  	_ =	shalt  }
0x71: {  	_ =	shalt  }
0x72: {  	_ =	shalt  }
0x73: {  	_ =	shalt  }
0x74: {  	_ =	shalt  }
0x75: {  	_ =	shalt  }
0x76: {  	_ =	shalt  }
0x77: {  	_ =	shalt  }
0x78: {  	_ =	shalt  }
0x79: {  	_ =	shalt  }
0x7a: {  	_ =	shalt  }
0x7b: {  	_ =	shalt  }
0x7c: {  	_ =	shalt  }
0x7d: {  	_ =	shalt  }
0x7e: {  	_ =	shalt  }
0x7f: {  	_ =	shalt  }
0x80: {  	_ =	shalt  }
0x81: {  	_ =	shalt  }
0x82: {  	_ =	shalt  }
0x83: {  	_ =	shalt  }
0x84: {  	_ =	shalt  }
0x85: {  	_ =	shalt  }
0x86: {  	_ =	shalt  }
0x87: {  	_ =	shalt  }
.Lfunc_end0:
.L_simem_size_0:
called_computation_lowered:
.L_overlay_start_0:
0x88: {  	s2 =	sld [smem:$0x3FD9]  }
0x89: {  	s3 =	sld [smem:$0x3FFE];
	_ =	sdelay $0x1  }
0x8a: {  	s1 =	srdreg.scid  }
0x8b: {  	s0 =	sand.u32 $0x1, s1  }
0x8c: {  	s17 =	sshll.u32 s0, $0xA;
	s2 =	sadd.s32 s3, s2  }
0x8d: {  	s2 =	sadd.s32 s2, s17  }
0x8e: {  	[smem:$0x3FC4] =	sst s2  }
0x8f: {  	_ = 	snop  }
0x90: {  	s2 =	sld [smem:$0x3FC9]  }
0x91: {  	s18 =	sld [smem:$0x3FD0];
	(tm) =	ssettm $0x1  }
0x92: {  	s4 =	sld [smem:$0x3FFB];
	_ =	sdelay $0x3  }
0x93: {  	_ =	strace s4  }
0x94: {  	s4 =	sld [smem:$0x3FFC];
	_ =	sdelay $0x3  }
0x95: {  	_ =	strace s4  }
0x96: {  	s4 =	sld [smem:$0x3FFD];
	_ =	sdelay $0x3  }
0x97: {  	_ =	strace s4  }
0x98: {  	_ =	strace $0x8FFFFFFF  }
0x99: {  	s19 =	sld [smem:$0x3FDB];
	_ =	sdelay $0x1  }
0x9a: {  	s5 =	simm.s32 $_scs_section_size  }
0x9b: {  	s6 =	simm.s32 $_size__tile_overlayer_lowered;
	s7 =	simm.s32 $_tile_overlayer_lowered  }
0x9c: {  	s22 =	simm.s32 $0x1BFF;
	s21 =	sshll.u32 s7, $0x1;
	s4 =	sadd.s32 s5, s19  }
0x9d: {  	s8 =	simm.s32 $0x0;
	s20 =	sshll.u32 s6, $0x1;
	s6 =	sadd.s32 s21, s4  }
0x9e: {  	[timem:s8], [sflag:s22] =	dma.local [hbm:s6], s20  }
0x9f: {  	_ =	swait.ge [sflag:s22], s20  }
0xa0: {  	s5 =	ssub.s32 $0x0, s20;
	[sflag:s22] =	ssyncset.done $0x0  }
0xa1: {  	[sflag:s22] =	ssyncadd.s32 s5;
	_ =	sdelay $0x1  }
0xa2: {  	s23 =	simm.s32 $0x1B8B  }
0xa3: {  	_ =	swait.ge [sflag:s23], $0x1  }
0xa4: {  	[sflag:s23] =	ssyncset.done $0x0  }
0xa5: {  	s25 =	simm.s32 $0x1B8E;
	s24 =	sld [smem:$0x3FFE];
	[sflag:s23] =	ssyncadd.s32 $0xFFFFFFFF  }
0xa6: {  	s26 =	simm.s32 $execute0_lowered;
	[smem:$0x3FD2] =	sst s25  }
0xa7: {  	s6 =	sshll.u32 s26, $0x1;
	_ =	strace $0x80000046;
	[dreg:$0x1] =	wrdreg $0xFFFFFFFF  }
0xa8: {  	s28 =	simm.s32 $_size_execute0_lowered;
	s4 =	sadd.s32 s4, s6;
	[dreg:$0x0] =	wrdreg $0x0  }
0xa9: {  	s6 =	sshll.u32 s28, $0x1;
	[dreg:$0x2] =	wrdreg s4  }
0xaa: {  	[dreg:$0x3] =	wrdreg s6  }
0xab: {  	[dreg:$0x4] =	wrdreg $0xC0  }
0xac: {  	_ =	task [dreg:s8], $0x5FFFF  }
0xad: {  	[dreg:$0x1] =	wrdreg $0xFFFFFFFF  }
0xae: {  	[dreg:$0x0] =	wrdreg $0x60  }
0xaf: {  	[dreg:$0x2] =	wrdreg s2  }
0xb0: {  	[dreg:$0x3] =	wrdreg s18  }
0xb1: {  	[dreg:$0x4] =	wrdreg s24  }
0xb2: {  	[dreg:$0x5] =	wrdreg $0x9  }
0xb3: {  	_ =	task.clear_ibuf [dreg:s8], $0x6FFFF;
	_ =	strace $0x90000046  }
0xb4: {  	s29 =	simm.s32 $0x9;
	_ =	strace $0x80000048  }
0xb5: {  	_ =	swait.ge [sflag:s29], $0x1  }
0xb6: {  	[sflag:s29] =	ssyncadd.s32 $0xFFFFFFFF  }
0xb7: {  	_ =	strace $0x90000048  }
0xb8: {  	_ =	sfence  }
0xb9: {  	s30 =	sld [smem:$0x0];
	_ =	sdelay $0x2  }
0xba: {  	s31 =	sshll.u32 s1, $0xD;
	s1 =	sshrl.u32 s1, $0x2  }
0xbb: {  	s3 =	sand.u32 $0x4000, s31;
	s1 =	sadd.s32 s1, s30  }
0xbc: {  	s0 =	sor.u32 s3, s0;
	s1 =	sshll.u32 s1, $0x11  }
0xbd: {  	s0 =	sor.u32 s1, s0  }
0xbe: {  	s0 =	sadd.s32 $0x8F2B, s0  }
0xbf: {  	[sflag:s0] =	ssyncadd.remote.s32 $0x1  }
0xc0: {  	_ =	sfence.sel $0xFFFF  }
0xc1: {  	[dreg:$0x0] =	wrdreg $0xFFFFFFFF;
	(pc) =	sbr.abs _section_cstart, $3  }
0xc2: {  	[dreg:$0x1] =	wrdreg $0xFFFFFFFF  }
0xc3: {  	_ =	task.clear_ibuf [dreg:s8], $0x2FFFF;
	_ =	strace $0x9FFFFFFF  }
0xc4: {  	(tm) =	ssettm $0x7FFFFFFF  }
0xc5: {  	_ =	shalt  }
tec
execute0_lowered:
.L_overlay_start_1:
0x0: {  	(tag) =	ssettag $0x1  }
0x1: {  	s0 =	rddreg [dreg:$0x0];
	s1 =	srdreg.scid  }
0x2: {  	s4 =	rddreg [dreg:$0x1];
	s2 =	stileid.u32  }
0x3: {  	s6 =	rddreg [dreg:$0x2];
	s26 =	simm.s32 $0x80;
	s18 =	simm.s32 $0x100  }
0x4: {  	s21 =	simm.s32 $0x1900;
	s22 =	simm.s32 $0x2100;
	s23 =	simm.s32 $0x2900  }
0x5: {  	s28 =	simm.s32 $0x4900;
	s29 =	simm.s32 $0x5100;
	s30 =	simm.s32 $0x5900  }
0x6: {  	s31 =	simm.s32 $0x6100;
	s10 =	simm.s32 $0x7900;
	s11 =	simm.s32 $0x8100  }
0x7: {  	s12 =	simm.s32 $0x8900;
	s13 =	simm.s32 $0x9100;
	s14 =	simm.s32 $0x9900  }
0x8: {  	s15 =	simm.s32 $0xA100;
	s16 =	simm.s32 $0xA900;
	s17 =	simm.s32 $0xB100  }
0x9: {  	s1 =	sand.u32 $0x1, s1;
	s3 =	sshll.u32 s2, $0x7;
	s2 =	simm.s32 $0x0  }
0xa: {  	s9 =	simm.s32 $0xB900;
	s5 =	sshll.u32 s1, $0x6;
	[smem:$0x7FF] =	sst s2  }
0xb: {  	s1 =	ssub.s32 $0x2, s1;
	s5 =	sor.u32 s5, s3;
	_ =	strace $0x80000047  }
0xc: {  	s3 =	sadd.s32 $0x600, s6;
	s25 =	sshrl.u32 s1, $0x1;
	[dreg:$0x7] =	wrdreg s26  }
0xd: {  	s26 =	simm.s32 $0x4100;
	s7 =	sshrl.u32 s5, $0x3;
	s5 =	sshll.u32 s5, $0x7  }
0xe: {  	s1 =	ssub.s32 s1, s25;
	s25 =	simm.s32 $0x3900;
	s8 =	sadd.s32 s7, s6  }
0xf: {  	s4 =	sadd.s32 s4, s7;
	s0 =	sadd.s32 s0, s5;
	s5 =	sadd.s32 $0x800, s6  }
0x10: {  	v2 =	vlaneseq.u32;
	s7 =	smax.u32 s1, $0x1;
	[dreg:$0x4] =	wrdreg s4;
	s24 =	sadd.s32 $0x400, s8  }
0x11: {  	vm0 =	vmmov $0xffff;
	v1 =	vshrl.u32 v2, $0x3;
	[dreg:$0x6] =	wrdreg s0;
	s4 =	sadd.s32 $0x700, s6;
	s6 =	sadd.s32 $0x900, s6  }
0x12: {  	v0 =	vand.u32 $0x7, v2;
	v2 =	vor.u32 $0x8, v2;
	v1 =	vmul.u32 $0x8, v1;
	s8 =	simm.s32 $0x2;
	[dreg:$0x5] =	wrdreg s24;
	s24 =	simm.s32 $0x3100  }
.LBB2_1:
0x13: {  	s19 =	rddreg [dreg:$0x4]  }
0x14: {  	[tilespmem:s2], [sflag:$0x2] =	stream.linear.gather [hbm4b:s19+s2], $0x40, $0x38;
	[tilespmem:$0x10100] =	vst v63  }
0x15: {  	_ =	swait.ge [sflag:s8], $0x40  }
0x16: {  	s0 =	rddreg [dreg:$0x5];
	[sflag:s8] =	ssyncset.done $0x0  }
0x17: {  	s20 =	rddreg [dreg:$0x7];
	[sflag:s8] =	ssyncadd.s32 $0xFFFFFFC0  }
0x18: {  	[tilespmem:s20], [sflag:$0x2] =	stream.linear.gather [hbm4b:s0+s2], $0x40, $0x38;
	[tilespmem:$0x10100] =	vst v63  }
0x19: {  	_ =	swait.ge [sflag:s8], $0x40  }
0x1a: {  	[sflag:s8] =	ssyncset.done $0x0  }
0x1b: {  	s1 =	rddreg [dreg:$0x6];
	[sflag:s8] =	ssyncadd.s32 $0xFFFFFFC0  }
0x1c: {  	[tilespmem:s18], [sflag:$0x2] =	stream.linear.gather [hbm4b:s1+s2], $0x10000, $0x38;
	[tilespmem:$0x10100] =	vst v63  }
0x1d: {  	_ =	swait.ge [sflag:s8], $0x10000  }
0x1e: {  	[sflag:s8] =	ssyncset.done $0x0  }
0x1f: {  	[sflag:s8] =	ssyncadd.s32 $0xFFFF0000  }
0x20: {  	v3 =	vld [tilespmem:$0x0];
	_ =	sdelay $0x4  }
0x21: {  	v4 =	vshll.u32 v3, $0x3  }
0x22: {  	v3 =	vand.u32 $0x7, v3;
	v4 =	vand.u32 $0xFFFFFFC0, v4  }
0x23: {  	v3 =	vor.u32 v3, v4  }
0x24: {  	v4 =	vperm.xlane v3, v0;
	_ =	sdelay $0x1  }
0x25: {  	v4 =	vadd.s32 v1, v4;
	_ =	sdelay $0x4  }
0x26: {  	[hbm4b:s3+s2] =	stream.indirect_vreg.scatter [tilespmem:s18], [sflag:$0x1], $0x80, v4, vm0, $0xb8;
	[tilespmem:$0x10100] =	vst v63  }
0x27: {  	s19 =	simm.s32 $0x900;
	v3 =	vperm.xlane v3, v2  }
0x28: {  	[hbm4b:s4+s2] =	stream.indirect_vreg.scatter [tilespmem:s19], [sflag:$0x1], $0x80, v4, vm0, $0xb8;
	[tilespmem:$0x10100] =	vst v63  }
0x29: {  	s20 =	simm.s32 $0x1100;
	v3 =	vadd.s32 v1, v3  }
0x2a: {  	[hbm4b:s5+s2] =	stream.indirect_vreg.scatter [tilespmem:s20], [sflag:$0x1], $0x80, v4, vm0, $0xb8;
	[tilespmem:$0x10100] =	vst v63  }
0x2b: {  	_ = 	snop  }
0x2c: {  	[hbm4b:s6+s2] =	stream.indirect_vreg.scatter [tilespmem:s21], [sflag:$0x1], $0x80, v4, vm0, $0xb8;
	[tilespmem:$0x10100] =	vst v63  }
0x2d: {  	_ = 	snop  }
0x2e: {  	[hbm4b:s3+s2] =	stream.indirect_vreg.scatter [tilespmem:s22], [sflag:$0x1], $0x80, v3, vm0, $0xb8;
	[tilespmem:$0x10100] =	vst v63  }
0x2f: {  	_ = 	snop  }
0x30: {  	[hbm4b:s4+s2] =	stream.indirect_vreg.scatter [tilespmem:s23], [sflag:$0x1], $0x80, v3, vm0, $0xb8;
	[tilespmem:$0x10100] =	vst v63  }
0x31: {  	_ = 	snop  }
0x32: {  	[hbm4b:s5+s2] =	stream.indirect_vreg.scatter [tilespmem:s24], [sflag:$0x1], $0x80, v3, vm0, $0xb8;
	[tilespmem:$0x10100] =	vst v63  }
0x33: {  	_ = 	snop  }
0x34: {  	[hbm4b:s6+s2] =	stream.indirect_vreg.scatter [tilespmem:s25], [sflag:$0x1], $0x80, v3, vm0, $0xb8;
	[tilespmem:$0x10100] =	vst v63  }
0x35: {  	v3 =	vld [tilespmem:$0x10];
	_ =	sdelay $0x4  }
0x36: {  	v57 =	vshll.u32 v3, $0x3  }
0x37: {  	v3 =	vand.u32 $0x7, v3;
	v4 =	vand.u32 $0xFFFFFFC0, v57  }
0x38: {  	v3 =	vor.u32 v3, v4  }
0x39: {  	v4 =	vperm.xlane v3, v0;
	_ =	sdelay $0x1  }
0x3a: {  	v4 =	vadd.s32 v1, v4;
	_ =	sdelay $0x4  }
0x3b: {  	[hbm4b:s3+s2] =	stream.indirect_vreg.scatter [tilespmem:s26], [sflag:$0x1], $0x80, v4, vm0, $0xb8;
	[tilespmem:$0x10100] =	vst v63  }
0x3c: {  	v3 =	vperm.xlane v3, v2  }
0x3d: {  	[hbm4b:s4+s2] =	stream.indirect_vreg.scatter [tilespmem:s28], [sflag:$0x1], $0x80, v4, vm0, $0xb8;
	[tilespmem:$0x10100] =	vst v63  }
0x3e: {  	v3 =	vadd.s32 v1, v3  }
0x3f: {  	[hbm4b:s5+s2] =	stream.indirect_vreg.scatter [tilespmem:s29], [sflag:$0x1], $0x80, v4, vm0, $0xb8;
	[tilespmem:$0x10100] =	vst v63  }
0x40: {  	_ = 	snop  }
0x41: {  	[hbm4b:s6+s2] =	stream.indirect_vreg.scatter [tilespmem:s30], [sflag:$0x1], $0x80, v4, vm0, $0xb8;
	[tilespmem:$0x10100] =	vst v63  }
0x42: {  	_ = 	snop  }
0x43: {  	[hbm4b:s3+s2] =	stream.indirect_vreg.scatter [tilespmem:s31], [sflag:$0x1], $0x80, v3, vm0, $0xb8;
	[tilespmem:$0x10100] =	vst v63  }
0x44: {  	s1 =	simm.s32 $0x6900  }
0x45: {  	[hbm4b:s4+s2] =	stream.indirect_vreg.scatter [tilespmem:s1], [sflag:$0x1], $0x80, v3, vm0, $0xb8;
	[tilespmem:$0x10100] =	vst v63  }
0x46: {  	s0 =	simm.s32 $0x7100  }
0x47: {  	[hbm4b:s5+s2] =	stream.indirect_vreg.scatter [tilespmem:s0], [sflag:$0x1], $0x80, v3, vm0, $0xb8;
	[tilespmem:$0x10100] =	vst v63  }
0x48: {  	_ = 	snop  }
0x49: {  	[hbm4b:s6+s2] =	stream.indirect_vreg.scatter [tilespmem:s10], [sflag:$0x1], $0x80, v3, vm0, $0xb8;
	[tilespmem:$0x10100] =	vst v63  }
0x4a: {  	v3 =	vld [tilespmem:$0x20];
	_ =	sdelay $0x4  }
0x4b: {  	v58 =	vshll.u32 v3, $0x3  }
0x4c: {  	v3 =	vand.u32 $0x7, v3;
	v4 =	vand.u32 $0xFFFFFFC0, v58  }
0x4d: {  	v3 =	vor.u32 v3, v4  }
0x4e: {  	v4 =	vperm.xlane v3, v0;
	_ =	sdelay $0x1  }
0x4f: {  	v4 =	vadd.s32 v1, v4;
	_ =	sdelay $0x4  }
0x50: {  	[hbm4b:s3+s2] =	stream.indirect_vreg.scatter [tilespmem:s11], [sflag:$0x1], $0x80, v4, vm0, $0xb8;
	[tilespmem:$0x10100] =	vst v63  }
0x51: {  	v3 =	vperm.xlane v3, v2  }
0x52: {  	[hbm4b:s4+s2] =	stream.indirect_vreg.scatter [tilespmem:s12], [sflag:$0x1], $0x80, v4, vm0, $0xb8;
	[tilespmem:$0x10100] =	vst v63  }
0x53: {  	v3 =	vadd.s32 v1, v3  }
0x54: {  	[hbm4b:s5+s2] =	stream.indirect_vreg.scatter [tilespmem:s13], [sflag:$0x1], $0x80, v4, vm0, $0xb8;
	[tilespmem:$0x10100] =	vst v63  }
0x55: {  	_ = 	snop  }
0x56: {  	[hbm4b:s6+s2] =	stream.indirect_vreg.scatter [tilespmem:s14], [sflag:$0x1], $0x80, v4, vm0, $0xb8;
	[tilespmem:$0x10100] =	vst v63  }
0x57: {  	_ = 	snop  }
0x58: {  	[hbm4b:s3+s2] =	stream.indirect_vreg.scatter [tilespmem:s15], [sflag:$0x1], $0x80, v3, vm0, $0xb8;
	[tilespmem:$0x10100] =	vst v63  }
0x59: {  	_ = 	snop  }
0x5a: {  	[hbm4b:s4+s2] =	stream.indirect_vreg.scatter [tilespmem:s16], [sflag:$0x1], $0x80, v3, vm0, $0xb8;
	[tilespmem:$0x10100] =	vst v63  }
0x5b: {  	_ = 	snop  }
0x5c: {  	[hbm4b:s5+s2] =	stream.indirect_vreg.scatter [tilespmem:s17], [sflag:$0x1], $0x80, v3, vm0, $0xb8;
	[tilespmem:$0x10100] =	vst v63  }
0x5d: {  	_ = 	snop  }
0x5e: {  	[hbm4b:s6+s2] =	stream.indirect_vreg.scatter [tilespmem:s9], [sflag:$0x1], $0x80, v3, vm0, $0xb8;
	[tilespmem:$0x10100] =	vst v63  }
0x5f: {  	v3 =	vld [tilespmem:$0x30];
	_ =	sdelay $0x4  }
0x60: {  	v59 =	vshll.u32 v3, $0x3  }
0x61: {  	v3 =	vand.u32 $0x7, v3;
	v4 =	vand.u32 $0xFFFFFFC0, v59  }
0x62: {  	v3 =	vor.u32 v3, v4  }
0x63: {  	v4 =	vperm.xlane v3, v0;
	_ =	sdelay $0x1  }
0x64: {  	v4 =	vadd.s32 v1, v4;
	_ =	sdelay $0x3  }
0x65: {  	s0 =	simm.s32 $0xC100  }
0x66: {  	[hbm4b:s3+s2] =	stream.indirect_vreg.scatter [tilespmem:s0], [sflag:$0x1], $0x80, v4, vm0, $0xb8;
	[tilespmem:$0x10100] =	vst v63  }
0x67: {  	v3 =	vperm.xlane v3, v2;
	s0 =	simm.s32 $0xC900  }
0x68: {  	[hbm4b:s4+s2] =	stream.indirect_vreg.scatter [tilespmem:s0], [sflag:$0x1], $0x80, v4, vm0, $0xb8;
	[tilespmem:$0x10100] =	vst v63  }
0x69: {  	v3 =	vadd.s32 v1, v3;
	s0 =	simm.s32 $0xD100  }
0x6a: {  	[hbm4b:s5+s2] =	stream.indirect_vreg.scatter [tilespmem:s0], [sflag:$0x1], $0x80, v4, vm0, $0xb8;
	[tilespmem:$0x10100] =	vst v63  }
0x6b: {  	s0 =	simm.s32 $0xD900  }
0x6c: {  	[hbm4b:s6+s2] =	stream.indirect_vreg.scatter [tilespmem:s0], [sflag:$0x1], $0x80, v4, vm0, $0xb8;
	[tilespmem:$0x10100] =	vst v63  }
0x6d: {  	s0 =	simm.s32 $0xE100  }
0x6e: {  	[hbm4b:s3+s2] =	stream.indirect_vreg.scatter [tilespmem:s0], [sflag:$0x1], $0x80, v3, vm0, $0xb8;
	[tilespmem:$0x10100] =	vst v63  }
0x6f: {  	s0 =	simm.s32 $0xE900  }
0x70: {  	[hbm4b:s4+s2] =	stream.indirect_vreg.scatter [tilespmem:s0], [sflag:$0x1], $0x80, v3, vm0, $0xb8;
	[tilespmem:$0x10100] =	vst v63  }
0x71: {  	s0 =	simm.s32 $0xF100  }
0x72: {  	[hbm4b:s5+s2] =	stream.indirect_vreg.scatter [tilespmem:s0], [sflag:$0x1], $0x80, v3, vm0, $0xb8;
	[tilespmem:$0x10100] =	vst v63  }
0x73: {  	s0 =	simm.s32 $0xF900  }
0x74: {  	[hbm4b:s6+s2] =	stream.indirect_vreg.scatter [tilespmem:s0], [sflag:$0x1], $0x80, v3, vm0, $0xb8;
	[tilespmem:$0x10100] =	vst v63  }
0x75: {  	v3 =	vld [tilespmem:$0x80];
	_ =	sdelay $0x4  }
0x76: {  	v60 =	vshll.u32 v3, $0x3  }
0x77: {  	v3 =	vand.u32 $0x7, v3;
	v4 =	vand.u32 $0xFFFFFFC0, v60  }
0x78: {  	v3 =	vor.u32 v3, v4  }
0x79: {  	v4 =	vperm.xlane v3, v0;
	_ =	sdelay $0x1  }
0x7a: {  	v4 =	vadd.s32 v1, v4;
	_ =	sdelay $0x4  }
0x7b: {  	[hbm4b:s3+s2] =	stream.indirect_vreg.scatter [tilespmem:s18], [sflag:$0x1], $0x80, v4, vm0, $0xb8;
	[tilespmem:$0x10100] =	vst v63  }
0x7c: {  	v3 =	vperm.xlane v3, v2  }
0x7d: {  	[hbm4b:s4+s2] =	stream.indirect_vreg.scatter [tilespmem:s19], [sflag:$0x1], $0x80, v4, vm0, $0xb8;
	[tilespmem:$0x10100] =	vst v63  }
0x7e: {  	v3 =	vadd.s32 v1, v3  }
0x7f: {  	[hbm4b:s5+s2] =	stream.indirect_vreg.scatter [tilespmem:s20], [sflag:$0x1], $0x80, v4, vm0, $0xb8;
	[tilespmem:$0x10100] =	vst v63  }
0x80: {  	_ = 	snop  }
0x81: {  	[hbm4b:s6+s2] =	stream.indirect_vreg.scatter [tilespmem:s21], [sflag:$0x1], $0x80, v4, vm0, $0xb8;
	[tilespmem:$0x10100] =	vst v63  }
0x82: {  	_ = 	snop  }
0x83: {  	[hbm4b:s3+s2] =	stream.indirect_vreg.scatter [tilespmem:s22], [sflag:$0x1], $0x80, v3, vm0, $0xb8;
	[tilespmem:$0x10100] =	vst v63  }
0x84: {  	_ = 	snop  }
0x85: {  	[hbm4b:s4+s2] =	stream.indirect_vreg.scatter [tilespmem:s23], [sflag:$0x1], $0x80, v3, vm0, $0xb8;
	[tilespmem:$0x10100] =	vst v63  }
0x86: {  	_ = 	snop  }
0x87: {  	[hbm4b:s5+s2] =	stream.indirect_vreg.scatter [tilespmem:s24], [sflag:$0x1], $0x80, v3, vm0, $0xb8;
	[tilespmem:$0x10100] =	vst v63  }
0x88: {  	_ = 	snop  }
0x89: {  	[hbm4b:s6+s2] =	stream.indirect_vreg.scatter [tilespmem:s25], [sflag:$0x1], $0x80, v3, vm0, $0xb8;
	[tilespmem:$0x10100] =	vst v63  }
0x8a: {  	v3 =	vld [tilespmem:$0x90];
	_ =	sdelay $0x4  }
0x8b: {  	v61 =	vshll.u32 v3, $0x3  }
0x8c: {  	v3 =	vand.u32 $0x7, v3;
	v4 =	vand.u32 $0xFFFFFFC0, v61  }
0x8d: {  	v3 =	vor.u32 v3, v4  }
0x8e: {  	v4 =	vperm.xlane v3, v0;
	_ =	sdelay $0x1  }
0x8f: {  	v4 =	vadd.s32 v1, v4;
	_ =	sdelay $0x4  }
0x90: {  	[hbm4b:s3+s2] =	stream.indirect_vreg.scatter [tilespmem:s26], [sflag:$0x1], $0x80, v4, vm0, $0xb8;
	[tilespmem:$0x10100] =	vst v63  }
0x91: {  	v3 =	vperm.xlane v3, v2  }
0x92: {  	[hbm4b:s4+s2] =	stream.indirect_vreg.scatter [tilespmem:s28], [sflag:$0x1], $0x80, v4, vm0, $0xb8;
	[tilespmem:$0x10100] =	vst v63  }
0x93: {  	v3 =	vadd.s32 v1, v3  }
0x94: {  	[hbm4b:s5+s2] =	stream.indirect_vreg.scatter [tilespmem:s29], [sflag:$0x1], $0x80, v4, vm0, $0xb8;
	[tilespmem:$0x10100] =	vst v63  }
0x95: {  	_ = 	snop  }
0x96: {  	[hbm4b:s6+s2] =	stream.indirect_vreg.scatter [tilespmem:s30], [sflag:$0x1], $0x80, v4, vm0, $0xb8;
	[tilespmem:$0x10100] =	vst v63  }
0x97: {  	_ = 	snop  }
0x98: {  	[hbm4b:s3+s2] =	stream.indirect_vreg.scatter [tilespmem:s31], [sflag:$0x1], $0x80, v3, vm0, $0xb8;
	[tilespmem:$0x10100] =	vst v63  }
0x99: {  	_ = 	snop  }
0x9a: {  	[hbm4b:s4+s2] =	stream.indirect_vreg.scatter [tilespmem:s1], [sflag:$0x1], $0x80, v3, vm0, $0xb8;
	[tilespmem:$0x10100] =	vst v63  }
0x9b: {  	s20 =	simm.s32 $0x7100  }
0x9c: {  	[hbm4b:s5+s2] =	stream.indirect_vreg.scatter [tilespmem:s20], [sflag:$0x1], $0x80, v3, vm0, $0xb8;
	[tilespmem:$0x10100] =	vst v63  }
0x9d: {  	_ = 	snop  }
0x9e: {  	[hbm4b:s6+s2] =	stream.indirect_vreg.scatter [tilespmem:s10], [sflag:$0x1], $0x80, v3, vm0, $0xb8;
	[tilespmem:$0x10100] =	vst v63  }
0x9f: {  	v3 =	vld [tilespmem:$0xA0];
	_ =	sdelay $0x4  }
0xa0: {  	v62 =	vshll.u32 v3, $0x3  }
0xa1: {  	v3 =	vand.u32 $0x7, v3;
	v4 =	vand.u32 $0xFFFFFFC0, v62  }
0xa2: {  	v3 =	vor.u32 v3, v4  }
0xa3: {  	v4 =	vperm.xlane v3, v0;
	_ =	sdelay $0x1  }
0xa4: {  	v4 =	vadd.s32 v1, v4;
	_ =	sdelay $0x4  }
0xa5: {  	[hbm4b:s3+s2] =	stream.indirect_vreg.scatter [tilespmem:s11], [sflag:$0x1], $0x80, v4, vm0, $0xb8;
	[tilespmem:$0x10100] =	vst v63  }
0xa6: {  	v3 =	vperm.xlane v3, v2  }
0xa7: {  	[hbm4b:s4+s2] =	stream.indirect_vreg.scatter [tilespmem:s12], [sflag:$0x1], $0x80, v4, vm0, $0xb8;
	[tilespmem:$0x10100] =	vst v63  }
0xa8: {  	v3 =	vadd.s32 v1, v3  }
0xa9: {  	[hbm4b:s5+s2] =	stream.indirect_vreg.scatter [tilespmem:s13], [sflag:$0x1], $0x80, v4, vm0, $0xb8;
	[tilespmem:$0x10100] =	vst v63  }
0xaa: {  	_ = 	snop  }
0xab: {  	[hbm4b:s6+s2] =	stream.indirect_vreg.scatter [tilespmem:s14], [sflag:$0x1], $0x80, v4, vm0, $0xb8;
	[tilespmem:$0x10100] =	vst v63  }
0xac: {  	_ = 	snop  }
0xad: {  	[hbm4b:s3+s2] =	stream.indirect_vreg.scatter [tilespmem:s15], [sflag:$0x1], $0x80, v3, vm0, $0xb8;
	[tilespmem:$0x10100] =	vst v63  }
0xae: {  	_ = 	snop  }
0xaf: {  	[hbm4b:s4+s2] =	stream.indirect_vreg.scatter [tilespmem:s16], [sflag:$0x1], $0x80, v3, vm0, $0xb8;
	[tilespmem:$0x10100] =	vst v63  }
0xb0: {  	_ = 	snop  }
0xb1: {  	[hbm4b:s5+s2] =	stream.indirect_vreg.scatter [tilespmem:s17], [sflag:$0x1], $0x80, v3, vm0, $0xb8;
	[tilespmem:$0x10100] =	vst v63  }
0xb2: {  	_ = 	snop  }
0xb3: {  	[hbm4b:s6+s2] =	stream.indirect_vreg.scatter [tilespmem:s9], [sflag:$0x1], $0x80, v3, vm0, $0xb8;
	[tilespmem:$0x10100] =	vst v63  }
0xb4: {  	v3 =	vld [tilespmem:$0xB0];
	_ =	sdelay $0x4  }
0xb5: {  	v63 =	vshll.u32 v3, $0x3  }
0xb6: {  	v3 =	vand.u32 $0x7, v3;
	v4 =	vand.u32 $0xFFFFFFC0, v63  }
0xb7: {  	v3 =	vor.u32 v3, v4  }
0xb8: {  	v4 =	vperm.xlane v3, v0;
	_ =	sdelay $0x1  }
0xb9: {  	v4 =	vadd.s32 v1, v4;
	_ =	sdelay $0x3  }
0xba: {  	s19 =	simm.s32 $0xC100  }
0xbb: {  	[hbm4b:s3+s2] =	stream.indirect_vreg.scatter [tilespmem:s19], [sflag:$0x1], $0x80, v4, vm0, $0xb8;
	[tilespmem:$0x10100] =	vst v63  }
0xbc: {  	s20 =	simm.s32 $0xC900;
	v3 =	vperm.xlane v3, v2  }
0xbd: {  	[hbm4b:s4+s2] =	stream.indirect_vreg.scatter [tilespmem:s20], [sflag:$0x1], $0x80, v4, vm0, $0xb8;
	[tilespmem:$0x10100] =	vst v63  }
0xbe: {  	v3 =	vadd.s32 v1, v3;
	s19 =	simm.s32 $0xD100  }
0xbf: {  	[hbm4b:s5+s2] =	stream.indirect_vreg.scatter [tilespmem:s19], [sflag:$0x1], $0x80, v4, vm0, $0xb8;
	[tilespmem:$0x10100] =	vst v63  }
0xc0: {  	s20 =	simm.s32 $0xD900  }
0xc1: {  	[hbm4b:s6+s2] =	stream.indirect_vreg.scatter [tilespmem:s20], [sflag:$0x1], $0x80, v4, vm0, $0xb8;
	[tilespmem:$0x10100] =	vst v63  }
0xc2: {  	s19 =	simm.s32 $0xE100  }
0xc3: {  	[hbm4b:s3+s2] =	stream.indirect_vreg.scatter [tilespmem:s19], [sflag:$0x1], $0x80, v3, vm0, $0xb8;
	[tilespmem:$0x10100] =	vst v63  }
0xc4: {  	s20 =	simm.s32 $0xE900  }
0xc5: {  	[hbm4b:s4+s2] =	stream.indirect_vreg.scatter [tilespmem:s20], [sflag:$0x1], $0x80, v3, vm0, $0xb8;
	[tilespmem:$0x10100] =	vst v63  }
0xc6: {  	s19 =	simm.s32 $0xF100  }
0xc7: {  	[hbm4b:s5+s2] =	stream.indirect_vreg.scatter [tilespmem:s19], [sflag:$0x1], $0x80, v3, vm0, $0xb8;
	[tilespmem:$0x10100] =	vst v63  }
0xc8: {  	s20 =	simm.s32 $0x1  }
0xc9: {  	[hbm4b:s6+s2] =	stream.indirect_vreg.scatter [tilespmem:s0], [sflag:$0x1], $0x80, v3, vm0, $0xb8;
	[tilespmem:$0x10100] =	vst v63  }
0xca: {  	p0 =	sne.s32 s7, $0x1;
	_ =	swait.ge [sflag:s20], $0x10000  }
.Ltmp0:
0xcb: {  	[sflag:s20] =	ssyncset.done $0x0;
	(pc) =	sbr.rel @p0 .LBB2_1-.Ltmp0, $4  }
0xcc: {  	[sflag:s20] =	ssyncadd.s32 $0xFFFF0000  }
0xcd: {  	_ =	swait.ge [sflag:s20], $0x10000  }
0xce: {  	[sflag:s20] =	ssyncset.done $0x0  }
0xcf: {  	s7 =	sadd.s32 $0xFFFFFFFF, s7;
	[sflag:s20] =	ssyncadd.s32 $0xFFFF0000  }
0xd0: {  	_ =	sfence.sel $0x180000  }
0xd1: {  	[bflag:$0x0] =	sbarrier.arrive $0xFFFF  }
0xd2: {  	_ =	strace $0x90000047  }
0xd3: {  	s0 =	stileid.u32;
	[bflag:$0x2] =	sbarrier.arrive $0xFFFF  }
0xd4: {  	p0 =	sne.s32 s0, $0x0;
	s0 =	rddreg [dreg:$0x3]  }
0xd5: {  	s0 =	sadd.s32 @!p0 $0x100000, s0  }
0xd6: {  	[sflag:s0] =	ssyncadd.tile.s32 @!p0 $0x1;
	_ =	shalt  }
.Lfunc_end2:
_tile_overlayer_lowered:
.L_overlay_start_2:
0xd7: {  	(tag) =	ssettag $0x2  }
0xd8: {  	s0 =	rddreg [dreg:$0x0];
	s2 =	stileid.u32  }
0xd9: {  	s1 =	rddreg [dreg:$0x1];
	p0 =	sne.s32 s2, $0x0  }
0xda: {  	s3 =	rddreg [dreg:$0x2];
	[bflag:$0x3] =	sbarrier.arrive $0xFFFF;
	s2 =	simm.s32 @!p0 $0x1C02  }
0xdb: {  	[timem:s3], [sflag:s2] =	dma.local @!p0 [hbm:s0], s1  }
0xdc: {  	s0 =	simm.s32 @!p0 $0x2  }
0xdd: {  	_ =	swait.ge @!p0 [sflag:s0], s1  }
0xde: {  	s1 =	ssub.s32 @!p0 $0x0, s1;
	[sflag:s0] =	ssyncset.done @!p0 $0x0  }
0xdf: {  	[sflag:s0] =	ssyncadd.s32 @!p0 s1  }
0xe0: {  	[bflag:$0x3] =	sbarrier.arrive $0xFFFF  }
0xe1: {  	_ =	shalt  }

</sc_bundles>
